<compile_context>
chip_gen: v7x
topology: tpu7x:2x2x1
jax: 0.10.2.dev20260603
libtpu: 0.0.44.dev20260713+nightly
codegen_flags: <defaults>
</compile_context>

<pallas_src>
import functools

import jax
import jax.numpy as jnp
from jax import lax
from jax.experimental import pallas as pl
from jax.experimental.pallas import tpu as pltpu
from jax.experimental.pallas import tpu_sc as plsc

N = 10000
E = 320000
D = 128

NC = 2
NS = 16
NW = NC * NS
CH = 128
TOTCH = E // CH
KITER = (TOTCH + NW - 1) // NW + 1
RCH = 80
NRCH = N // RCH
RITER = (NRCH + NS - 1) // NS
HR = 80
HC = 128


def _sc_aggregate(feat, src, dst):
    mesh = plsc.VectorSubcoreMesh(core_axis_name="c", subcore_axis_name="s")

    @functools.partial(
        pl.kernel,
        out_type=(
            jax.ShapeDtypeStruct((NC, N, D), jnp.float32),
            jax.ShapeDtypeStruct((NC, HR, HC), jnp.float32),
        ),
        mesh=mesh,
        compiler_params=pltpu.CompilerParams(needs_layout_passes=False),
        scratch_types=[
            pltpu.VMEM((CH, D), jnp.float32),
            pltpu.VMEM((CH, D), jnp.float32),
            pltpu.VMEM((CH,), jnp.int32),
            pltpu.VMEM((CH,), jnp.int32),
            pltpu.VMEM((CH,), jnp.int32),
            pltpu.VMEM((CH,), jnp.int32),
            pltpu.VMEM((CH,), jnp.int32),
            pltpu.VMEM((CH,), jnp.int32),
            pltpu.VMEM((HR, HC), jnp.float32),
            pltpu.VMEM((HR,), jnp.int32),
            pltpu.VMEM_SHARED((N, D), jnp.float32),
            pltpu.VMEM_SHARED((HR, HC), jnp.float32),
            pltpu.SemaphoreType.DMA,
            pltpu.SemaphoreType.DMA,
            pltpu.SemaphoreType.DMA,
            pltpu.SemaphoreType.DMA,
            pltpu.SemaphoreType.DMA,
            pltpu.SemaphoreType.DMA,
        ],
    )
    def agg_kernel(feat_hbm, src_hbm, dst_hbm, agg_out, deg_out,
                   rows0, rows1, srcv0, srcv1, dstv0, dstv1,
                   scatv0, scatv1, hist, idrow, acc, dhist,
                   gsem0, gsem1, ssem0, ssem1, isem0, isem1):
        c = lax.axis_index("c")
        s = lax.axis_index("s")
        wid = c * NS + s
        rows = (rows0, rows1)
        srcv = (srcv0, srcv1)
        dstv = (dstv0, dstv1)
        scatv = (scatv0, scatv1)
        gsem = (gsem0, gsem1)
        ssem = (ssem0, ssem1)
        isem = (isem0, isem1)

        zero16 = jnp.zeros((16,), jnp.float32)
        one16 = jnp.ones((16,), jnp.float32)
        iota16 = lax.iota(jnp.int32, 16)

        def zrow(r, carry):
            def zcol(j, carry2):
                rows0[r, pl.ds(j * 16, 16)] = zero16
                return carry2
            return lax.fori_loop(0, D // 16, zcol, carry)
        lax.fori_loop(0, RCH, zrow, 0)

        def zhist(r, carry):
            def zcol(j, carry2):
                hist[r, pl.ds(j * 16, 16)] = zero16
                return carry2
            return lax.fori_loop(0, HC // 16, zcol, carry)
        lax.fori_loop(0, HR, zhist, 0)

        for j in range(HR // 16):
            idrow[pl.ds(j * 16, 16)] = iota16 + (j * 16)

        def zero_chunk(k, carry):
            chunk = k * NS + s
            @pl.when(chunk < NRCH)
            def _():
                pltpu.sync_copy(rows0.at[pl.ds(0, RCH)],
                                acc.at[pl.ds(chunk * RCH, RCH)])
            return carry
        lax.fori_loop(0, RITER, zero_chunk, 0)
        @pl.when(s < HR // 8)
        def _():
            pltpu.sync_copy(hist.at[pl.ds(s * 8, 8)], dhist.at[pl.ds(s * 8, 8)])

        plsc.subcore_barrier()

        def cid(k):
            return wid + k * NW

        def issue_idx(k, b):
            off = cid(k) * CH
            pltpu.async_copy(src_hbm.at[pl.ds(off, CH)], srcv[b], isem[b])
            pltpu.async_copy(dst_hbm.at[pl.ds(off, CH)], dstv[b], isem[b])

        def wait_idx(b):
            pltpu.make_async_copy(
                src_hbm.at[pl.ds(0, CH)], srcv[b], isem[b]).wait()
            pltpu.make_async_copy(
                dst_hbm.at[pl.ds(0, CH)], dstv[b], isem[b]).wait()

        def issue_gather(b):
            pltpu.async_copy(feat_hbm.at[srcv[b]], rows[b], gsem[b])

        def wait_gather(b):
            pltpu.make_async_copy(
                feat_hbm.at[srcv[0]], rows[b], gsem[b]).wait()

        def issue_scatter(b):
            pltpu.async_copy(rows[b], acc.at[scatv[b]], ssem[b], add=True)

        def wait_scatter(b):
            pltpu.make_async_copy(
                rows[b], acc.at[scatv[0]], ssem[b]).wait()

        issue_idx(0, 0)
        issue_idx(1, 1)
        wait_idx(0)
        issue_gather(0)

        @pl.loop(0, KITER, step=2)
        def edge_loop(g):
            for b in range(2):
                k = g + b
                nb = 1 - b
                @pl.when(cid(k) < TOTCH)
                def _():
                    wait_gather(b)
                    @pl.when(cid(k + 1) < TOTCH)
                    def _():
                        @pl.when(k >= 1)
                        def _():
                            wait_scatter(nb)
                        wait_idx(nb)
                        issue_gather(nb)
                    for j in range(CH // 16):
                        dv = dstv[b][pl.ds(j * 16, 16)]
                        scatv[b][pl.ds(j * 16, 16)] = dv
                        plsc.addupdate_scatter(
                            hist, [dv // HC, dv % HC], one16)
                    @pl.when(cid(k + 2) < TOTCH)
                    def _():
                        issue_idx(k + 2, b)
                    issue_scatter(b)

        wait_scatter(0)
        wait_scatter(1)

        pltpu.sync_copy(hist, dhist.at[idrow], add=True)

        plsc.subcore_barrier()

        @pl.when(s < HR // 8)
        def _():
            pltpu.sync_copy(dhist.at[pl.ds(s * 8, 8)], hist.at[pl.ds(0, 8)])
            pltpu.sync_copy(hist.at[pl.ds(0, 8)],
                            deg_out.at[c, pl.ds(s * 8, 8)])

        pltpu.async_copy(acc.at[pl.ds(s * RCH, RCH)],
                         rows0.at[pl.ds(0, RCH)], gsem0)

        @pl.loop(0, RITER, step=2)
        def out_loop(kk0):
            for b in range(2):
                kk = kk0 + b
                chunk = kk * NS + s
                @pl.when(chunk < NRCH)
                def _():
                    pltpu.make_async_copy(
                        acc.at[pl.ds(0, RCH)],
                        rows[b].at[pl.ds(0, RCH)], gsem[b]).wait()
                    nxt = (kk + 1) * NS + s
                    @pl.when(nxt < NRCH)
                    def _():
                        pltpu.async_copy(acc.at[pl.ds(nxt * RCH, RCH)],
                                         rows[1 - b].at[pl.ds(0, RCH)],
                                         gsem[1 - b])
                    pltpu.sync_copy(rows[b].at[pl.ds(0, RCH)],
                                    agg_out.at[c, pl.ds(chunk * RCH, RCH)])

    return agg_kernel(feat, src, dst)


BR = 1000


def _combine_body(feat_ref, wst_ref, wnt_ref, b_ref, agg_ref, deg_ref, out_ref):
    deg = jnp.maximum(deg_ref[...], 1.0)
    m = (agg_ref[0] + agg_ref[1]) / deg
    out_ref[...] = (
        jnp.dot(feat_ref[...], wst_ref[...], preferred_element_type=jnp.float32)
        + jnp.dot(m, wnt_ref[...], preferred_element_type=jnp.float32)
        + b_ref[...]
    )


def kernel(feat, edge_index, W_self, W_neigh, b_neigh):
    src = edge_index[0].astype(jnp.int32)
    dst = edge_index[1].astype(jnp.int32)

    agg, deg_hist = _sc_aggregate(feat, src, dst)
    deg = (deg_hist[0] + deg_hist[1]).reshape(HR * HC)[:N]

    h = pl.pallas_call(
        _combine_body,
        grid=(N // BR,),
        in_specs=[
            pl.BlockSpec((BR, D), lambda i: (i, 0)),
            pl.BlockSpec((D, D), lambda i: (0, 0)),
            pl.BlockSpec((D, D), lambda i: (0, 0)),
            pl.BlockSpec((1, D), lambda i: (0, 0)),
            pl.BlockSpec((NC, BR, D), lambda i: (0, i, 0)),
            pl.BlockSpec((BR, 1), lambda i: (i, 0)),
        ],
        out_specs=pl.BlockSpec((BR, D), lambda i: (i, 0)),
        out_shape=jax.ShapeDtypeStruct((N, D), jnp.float32),
    )(feat, W_self.T, W_neigh.T, b_neigh.reshape(1, D), agg,
      deg.reshape(N, 1))

    return h

# --- scband reference (transcript-rebuilt; emitter-appended) ---
"""Pipeline reference for scband-max-ksageconv-45938970198373 (READ-ONLY COPY).

The authoritative reference and input builder live on the scoring server;
editing this copy changes nothing except your own understanding.
"""

import jax, jax.numpy as jnp
import numpy as np

N_NODES = 10000
N_EDGES = 320000
D_IN = 128
D_OUT = 128

def setup_inputs(seed: int = 0) -> dict:
    key = jax.random.key(seed)
    k1, k2, k3, k4, k5 = jax.random.split(key, 5)
    feat = jax.random.normal(k1, (N_NODES, D_IN), dtype=jnp.float32)
    edge_index = jax.random.randint(k2, (2, N_EDGES), 0, N_NODES, dtype=jnp.int64)
    # xavier_uniform with gain for relu (sqrt(2))
    gain = float(np.sqrt(2.0))
    bound = gain * float(np.sqrt(6.0 / (D_IN + D_OUT)))
    W_self = jax.random.uniform(k3, (D_OUT, D_IN), dtype=jnp.float32, minval=-bound, maxval=bound)
    W_neigh = jax.random.uniform(k4, (D_OUT, D_IN), dtype=jnp.float32, minval=-bound, maxval=bound)
    b_neigh = jnp.zeros((D_OUT,), dtype=jnp.float32)
    return {"feat": feat, "edge_index": edge_index, "W_self": W_self, "W_neigh": W_neigh, "b_neigh": b_neigh}

def reference(feat, edge_index, W_self, W_neigh, b_neigh):
    # h_self = fc_self(feat)  (no bias)
    h_self = feat @ W_self.T
    # fc_neigh(feat) then mean aggregation over in-edges (DGL copy_u + mean)
    h_pre = feat @ W_neigh.T + b_neigh
    src = edge_index[0]
    dst = edge_index[1]
    messages = jnp.take(h_pre, src, axis=0)              # gather
    agg = jax.ops.segment_sum(messages, dst, num_segments=N_NODES)   # scatter-add
    deg = jax.ops.segment_sum(jnp.ones((N_EDGES,), dtype=jnp.float32), dst, num_segments=N_NODES)
    deg = jnp.maximum(deg, 1.0)
    h_neigh = agg / deg[:, None]
    h = h_self + h_neigh
    return h

if __name__ == "__main__":
    import jax
    _d = setup_inputs()
    print(jax.jit(kernel)(*tuple(_d.values())))

</pallas_src>

<mosaic_0001>
#map = affine_map<(d0, d1) -> (0, 0)>
#map1 = affine_map<(d0, d1) -> (0)>
#map2 = affine_map<(d0, d1) -> (0, 0, 0)>
module attributes {stable_mosaic.version = 14 : i64} {
  func.func @agg_kernel(%arg0: i32, %arg1: i32, %arg2: memref<10000x128xf32, #tpu.memory_space<hbm>>, %arg3: memref<320000xi32, #tpu.memory_space<hbm>>, %arg4: memref<320000xi32, #tpu.memory_space<hbm>>, %arg5: memref<2x10000x128xf32, #tpu.memory_space<hbm>>, %arg6: memref<2x80x128xf32, #tpu.memory_space<hbm>>, %arg7: memref<128x128xf32, #tpu.memory_space<vmem>>, %arg8: memref<128x128xf32, #tpu.memory_space<vmem>>, %arg9: memref<128xi32, #tpu.memory_space<vmem>>, %arg10: memref<128xi32, #tpu.memory_space<vmem>>, %arg11: memref<128xi32, #tpu.memory_space<vmem>>, %arg12: memref<128xi32, #tpu.memory_space<vmem>>, %arg13: memref<128xi32, #tpu.memory_space<vmem>>, %arg14: memref<128xi32, #tpu.memory_space<vmem>>, %arg15: memref<80x128xf32, #tpu.memory_space<vmem>>, %arg16: memref<80xi32, #tpu.memory_space<vmem>>, %arg17: memref<10000x128xf32, #tpu.memory_space<vmem_shared>>, %arg18: memref<80x128xf32, #tpu.memory_space<vmem_shared>>, %arg19: memref<!tpu.dma_semaphore, #tpu.memory_space<semaphore_mem>>, %arg20: memref<!tpu.dma_semaphore, #tpu.memory_space<semaphore_mem>>, %arg21: memref<!tpu.dma_semaphore, #tpu.memory_space<semaphore_mem>>, %arg22: memref<!tpu.dma_semaphore, #tpu.memory_space<semaphore_mem>>, %arg23: memref<!tpu.dma_semaphore, #tpu.memory_space<semaphore_mem>>, %arg24: memref<!tpu.dma_semaphore, #tpu.memory_space<semaphore_mem>>) attributes {dimension_semantics = [#tpu.dimension_semantics<core_parallel>, #tpu.dimension_semantics<subcore_parallel>], iteration_bounds = array<i64: 2, 16>, scalar_prefetch = 0 : i64, scratch_operands = 18 : i64, tpu.core_type = #tpu.core_type<sc_vector_subcore>, window_params = [{transform_indices = #map}, {transform_indices = #map1}, {transform_indices = #map1}, {transform_indices = #map2}, {transform_indices = #map2}]} {
    %mul3A = arith.constant 16 : i32
    %mul3A_0 = arith.muli %arg0, %mul3A : i32
    %add3A = arith.addi %mul3A_0, %arg1 : i32
    %broadcast_in_dim3A = arith.constant 0.000000e+00 : f32
    %broadcast_in_dim3A_1 = vector.broadcast %broadcast_in_dim3A : f32 to vector<16xf32>
    %broadcast_in_dim3A_2 = arith.constant 1.000000e+00 : f32
    %broadcast_in_dim3A_3 = vector.broadcast %broadcast_in_dim3A_2 : f32 to vector<16xf32>
    %iota3A = tpu.iota {dimensions = array<i32: 0>} : vector<16xi32>
    %scan3A = arith.constant 0 : i32
    %scan3A_4 = arith.constant 0 : i32
    %scan3A_5 = arith.constant 80 : i32
    %scan3A_6 = arith.addi %scan3A_4, %scan3A_5 : i32
    %scan3A_7 = arith.constant 1 : i32
    scf.for %scan3A_106 = %scan3A_4 to %scan3A_6 step %scan3A_7  : i32 {
      %scan3A_107 = arith.constant 0 : i32
      %scan3A_108 = arith.constant 8 : i32
      %scan3A_109 = arith.addi %scan3A_107, %scan3A_108 : i32
      %scan3A_110 = arith.constant 1 : i32
      scf.for %scan3A_112 = %scan3A_107 to %scan3A_109 step %scan3A_110  : i32 {
        %mul3A_113 = arith.constant 16 : i32
        %mul3A_114 = arith.muli %scan3A_112, %mul3A_113 : i32
        %swap3A_115 = arith.index_cast %scan3A_106 : i32 to index
        %swap3A_116 = arith.index_cast %mul3A_114 : i32 to index
        %swap3A_117 = tpu.vector_load %arg7[%swap3A_115, %swap3A_116] {strides = array<i32>} : memref<128x128xf32, #tpu.memory_space<vmem>>, vector<16xf32>,
        tpu.vector_store %arg7[%swap3A_115, %swap3A_116], %broadcast_in_dim3A_1 {strides = array<i32>} : memref<128x128xf32, #tpu.memory_space<vmem>>, vector<16xf32>,
      }
      %scan3A_111 = arith.constant 8 : i32
    }
    %scan3A_8 = arith.constant 80 : i32
    %scan3A_9 = arith.constant 0 : i32
    %scan3A_10 = arith.constant 0 : i32
    %scan3A_11 = arith.constant 80 : i32
    %scan3A_12 = arith.addi %scan3A_10, %scan3A_11 : i32
    %scan3A_13 = arith.constant 1 : i32
    scf.for %scan3A_106 = %scan3A_10 to %scan3A_12 step %scan3A_13  : i32 {
      %scan3A_107 = arith.constant 0 : i32
      %scan3A_108 = arith.constant 8 : i32
      %scan3A_109 = arith.addi %scan3A_107, %scan3A_108 : i32
      %scan3A_110 = arith.constant 1 : i32
      scf.for %scan3A_112 = %scan3A_107 to %scan3A_109 step %scan3A_110  : i32 {
        %mul3A_113 = arith.constant 16 : i32
        %mul3A_114 = arith.muli %scan3A_112, %mul3A_113 : i32
        %swap3A_115 = arith.index_cast %scan3A_106 : i32 to index
        %swap3A_116 = arith.index_cast %mul3A_114 : i32 to index
        %swap3A_117 = tpu.vector_load %arg15[%swap3A_115, %swap3A_116] {strides = array<i32>} : memref<80x128xf32, #tpu.memory_space<vmem>>, vector<16xf32>,
        tpu.vector_store %arg15[%swap3A_115, %swap3A_116], %broadcast_in_dim3A_1 {strides = array<i32>} : memref<80x128xf32, #tpu.memory_space<vmem>>, vector<16xf32>,
      }
      %scan3A_111 = arith.constant 8 : i32
    }
    %scan3A_14 = arith.constant 80 : i32
    %add3A_15 = arith.constant 0 : i32
    %add3A_16 = vector.broadcast %add3A_15 : i32 to vector<16xi32>
    %add3A_17 = arith.addi %iota3A, %add3A_16 : vector<16xi32>
    %swap3A = arith.constant 0 : index
    %swap3A_18 = tpu.vector_load %arg16[%swap3A] {strides = array<i32>} : memref<80xi32, #tpu.memory_space<vmem>>, vector<16xi32>,
    tpu.vector_store %arg16[%swap3A], %add3A_17 {strides = array<i32>} : memref<80xi32, #tpu.memory_space<vmem>>, vector<16xi32>,
    %add3A_19 = arith.constant 16 : i32
    %add3A_20 = vector.broadcast %add3A_19 : i32 to vector<16xi32>
    %add3A_21 = arith.addi %iota3A, %add3A_20 : vector<16xi32>
    %swap3A_22 = arith.constant 16 : index
    %swap3A_23 = tpu.vector_load %arg16[%swap3A_22] {strides = array<i32>} : memref<80xi32, #tpu.memory_space<vmem>>, vector<16xi32>,
    tpu.vector_store %arg16[%swap3A_22], %add3A_21 {strides = array<i32>} : memref<80xi32, #tpu.memory_space<vmem>>, vector<16xi32>,
    %add3A_24 = arith.constant 32 : i32
    %add3A_25 = vector.broadcast %add3A_24 : i32 to vector<16xi32>
    %add3A_26 = arith.addi %iota3A, %add3A_25 : vector<16xi32>
    %swap3A_27 = arith.constant 32 : index
    %swap3A_28 = tpu.vector_load %arg16[%swap3A_27] {strides = array<i32>} : memref<80xi32, #tpu.memory_space<vmem>>, vector<16xi32>,
    tpu.vector_store %arg16[%swap3A_27], %add3A_26 {strides = array<i32>} : memref<80xi32, #tpu.memory_space<vmem>>, vector<16xi32>,
    %add3A_29 = arith.constant 48 : i32
    %add3A_30 = vector.broadcast %add3A_29 : i32 to vector<16xi32>
    %add3A_31 = arith.addi %iota3A, %add3A_30 : vector<16xi32>
    %swap3A_32 = arith.constant 48 : index
    %swap3A_33 = tpu.vector_load %arg16[%swap3A_32] {strides = array<i32>} : memref<80xi32, #tpu.memory_space<vmem>>, vector<16xi32>,
    tpu.vector_store %arg16[%swap3A_32], %add3A_31 {strides = array<i32>} : memref<80xi32, #tpu.memory_space<vmem>>, vector<16xi32>,
    %add3A_34 = arith.constant 64 : i32
    %add3A_35 = vector.broadcast %add3A_34 : i32 to vector<16xi32>
    %add3A_36 = arith.addi %iota3A, %add3A_35 : vector<16xi32>
    %swap3A_37 = arith.constant 64 : index
    %swap3A_38 = tpu.vector_load %arg16[%swap3A_37] {strides = array<i32>} : memref<80xi32, #tpu.memory_space<vmem>>, vector<16xi32>,
    tpu.vector_store %arg16[%swap3A_37], %add3A_36 {strides = array<i32>} : memref<80xi32, #tpu.memory_space<vmem>>, vector<16xi32>,
    %scan3A_39 = arith.constant 0 : i32
    %scan3A_40 = arith.constant 0 : i32
    %scan3A_41 = arith.constant 8 : i32
    %scan3A_42 = arith.addi %scan3A_40, %scan3A_41 : i32
    %scan3A_43 = arith.constant 1 : i32
    scf.for %scan3A_106 = %scan3A_40 to %scan3A_42 step %scan3A_43  : i32 {
      %mul3A_107 = arith.constant 16 : i32
      %mul3A_108 = arith.muli %scan3A_106, %mul3A_107 : i32
      %add3A_109 = arith.addi %mul3A_108, %arg1 : i32
      %lt3A_110 = arith.constant 125 : i32
      %lt3A_111 = arith.cmpi slt, %add3A_109, %lt3A_110 : i32
      %convert_element_type3A_112 = arith.extui %lt3A_111 : i1 to i32
      %cond3A_113 = arith.constant 0 : i32
      %cond3A_114 = arith.cmpi ne, %convert_element_type3A_112, %cond3A_113 : i32
      scf.if %cond3A_114 {
        %mul3A_115 = arith.constant 80 : i32
        %mul3A_116 = arith.muli %add3A_109, %mul3A_115 : i32
        "tpu.region"() ({
          %run_scoped3A = tpu.sem_alloc : memref<!tpu.dma_semaphore, #tpu.memory_space<semaphore_mem>>
          %dma_start3A_117 = arith.constant 0 : i32
          %dma_start3A_118 = arith.constant 0 : i32
          %dma_start3A_119 = tpu.memref_slice %arg7[%dma_start3A_117, %dma_start3A_118] : memref<128x128xf32, #tpu.memory_space<vmem>> -> memref<80x128xf32, #tpu.memory_space<vmem>>
          %dma_start3A_120 = arith.constant 0 : i32
          %dma_start3A_121 = tpu.memref_slice %arg17[%mul3A_116, %dma_start3A_120] : memref<10000x128xf32, #tpu.memory_space<vmem_shared>> -> memref<80x128xf32, #tpu.memory_space<vmem_shared>>
          %dma_start3A_122 = arith.constant 0 : i32
          %dma_start3A_123 = tpu.memref_slice %arg17[%mul3A_116, %dma_start3A_122] : memref<10000x128xf32, #tpu.memory_space<vmem_shared>> -> memref<80x128xf32, #tpu.memory_space<vmem_shared>>
          %dma_start3A_124 = arith.constant 0 : i32
          %dma_start3A_125 = arith.constant 0 : i32
          %dma_start3A_126 = tpu.memref_slice %arg7[%dma_start3A_124, %dma_start3A_125] : memref<128x128xf32, #tpu.memory_space<vmem>> -> memref<80x128xf32, #tpu.memory_space<vmem>>
          tpu.enqueue_dma source(%dma_start3A_126 : memref<80x128xf32, #tpu.memory_space<vmem>>) target(%dma_start3A_123 : memref<80x128xf32, #tpu.memory_space<vmem_shared>>) target_semaphore(%run_scoped3A : memref<!tpu.dma_semaphore, #tpu.memory_space<semaphore_mem>>)
          %dma_wait3A_127 = arith.constant 0 : i32
          %dma_wait3A_128 = arith.constant 0 : i32
          %dma_wait3A_129 = tpu.memref_slice %arg7[%dma_wait3A_127, %dma_wait3A_128] : memref<128x128xf32, #tpu.memory_space<vmem>> -> memref<80x128xf32, #tpu.memory_space<vmem>>
          %dma_wait3A_130 = arith.constant 0 : i32
          %dma_wait3A_131 = tpu.memref_slice %arg17[%mul3A_116, %dma_wait3A_130] : memref<10000x128xf32, #tpu.memory_space<vmem_shared>> -> memref<80x128xf32, #tpu.memory_space<vmem_shared>>
          %dma_wait3A_132 = arith.constant 0 : i32
          %dma_wait3A_133 = tpu.memref_slice %arg17[%mul3A_116, %dma_wait3A_132] : memref<10000x128xf32, #tpu.memory_space<vmem_shared>> -> memref<80x128xf32, #tpu.memory_space<vmem_shared>>
          %dma_wait3A_134 = arith.constant 0 : i32
          %dma_wait3A_135 = arith.constant 0 : i32
          %dma_wait3A_136 = tpu.memref_slice %arg7[%dma_wait3A_134, %dma_wait3A_135] : memref<128x128xf32, #tpu.memory_space<vmem>> -> memref<80x128xf32, #tpu.memory_space<vmem>>
          tpu.wait_dma2 semaphore(%run_scoped3A : memref<!tpu.dma_semaphore, #tpu.memory_space<semaphore_mem>>) src(%dma_wait3A_136 : memref<80x128xf32, #tpu.memory_space<vmem>>) dst(%dma_wait3A_133 : memref<80x128xf32, #tpu.memory_space<vmem_shared>>)
          tpu.yield
        }) : () -> ()
      } else {
      }
    }
    %scan3A_44 = arith.constant 8 : i32
    %lt3A = arith.constant 10 : i32
    %lt3A_45 = arith.cmpi slt, %arg1, %lt3A : i32
    %convert_element_type3A = arith.extui %lt3A_45 : i1 to i32
    %cond3A = arith.constant 0 : i32
    %cond3A_46 = arith.cmpi ne, %convert_element_type3A, %cond3A : i32
    scf.if %cond3A_46 {
      %mul3A_106 = arith.constant 8 : i32
      %mul3A_107 = arith.muli %arg1, %mul3A_106 : i32
      %mul3A_108 = arith.constant 8 : i32
      %mul3A_109 = arith.muli %arg1, %mul3A_108 : i32
      "tpu.region"() ({
        %run_scoped3A = tpu.sem_alloc : memref<!tpu.dma_semaphore, #tpu.memory_space<semaphore_mem>>
        %dma_start3A_110 = arith.constant 0 : i32
        %dma_start3A_111 = tpu.memref_slice %arg15[%mul3A_107, %dma_start3A_110] : memref<80x128xf32, #tpu.memory_space<vmem>> -> memref<8x128xf32, #tpu.memory_space<vmem>>
        %dma_start3A_112 = arith.constant 0 : i32
        %dma_start3A_113 = tpu.memref_slice %arg18[%mul3A_109, %dma_start3A_112] : memref<80x128xf32, #tpu.memory_space<vmem_shared>> -> memref<8x128xf32, #tpu.memory_space<vmem_shared>>
        %dma_start3A_114 = arith.constant 0 : i32
        %dma_start3A_115 = tpu.memref_slice %arg18[%mul3A_109, %dma_start3A_114] : memref<80x128xf32, #tpu.memory_space<vmem_shared>> -> memref<8x128xf32, #tpu.memory_space<vmem_shared>>
        %dma_start3A_116 = arith.constant 0 : i32
        %dma_start3A_117 = tpu.memref_slice %arg15[%mul3A_107, %dma_start3A_116] : memref<80x128xf32, #tpu.memory_space<vmem>> -> memref<8x128xf32, #tpu.memory_space<vmem>>
        tpu.enqueue_dma source(%dma_start3A_117 : memref<8x128xf32, #tpu.memory_space<vmem>>) target(%dma_start3A_115 : memref<8x128xf32, #tpu.memory_space<vmem_shared>>) target_semaphore(%run_scoped3A : memref<!tpu.dma_semaphore, #tpu.memory_space<semaphore_mem>>)
        %dma_wait3A_118 = arith.constant 0 : i32
        %dma_wait3A_119 = tpu.memref_slice %arg15[%mul3A_107, %dma_wait3A_118] : memref<80x128xf32, #tpu.memory_space<vmem>> -> memref<8x128xf32, #tpu.memory_space<vmem>>
        %dma_wait3A_120 = arith.constant 0 : i32
        %dma_wait3A_121 = tpu.memref_slice %arg18[%mul3A_109, %dma_wait3A_120] : memref<80x128xf32, #tpu.memory_space<vmem_shared>> -> memref<8x128xf32, #tpu.memory_space<vmem_shared>>
        %dma_wait3A_122 = arith.constant 0 : i32
        %dma_wait3A_123 = tpu.memref_slice %arg18[%mul3A_109, %dma_wait3A_122] : memref<80x128xf32, #tpu.memory_space<vmem_shared>> -> memref<8x128xf32, #tpu.memory_space<vmem_shared>>
        %dma_wait3A_124 = arith.constant 0 : i32
        %dma_wait3A_125 = tpu.memref_slice %arg15[%mul3A_107, %dma_wait3A_124] : memref<80x128xf32, #tpu.memory_space<vmem>> -> memref<8x128xf32, #tpu.memory_space<vmem>>
        tpu.wait_dma2 semaphore(%run_scoped3A : memref<!tpu.dma_semaphore, #tpu.memory_space<semaphore_mem>>) src(%dma_wait3A_125 : memref<8x128xf32, #tpu.memory_space<vmem>>) dst(%dma_wait3A_123 : memref<8x128xf32, #tpu.memory_space<vmem_shared>>)
        tpu.yield
      }) : () -> ()
    } else {
    }
    %barrier3A = arith.constant 0 : index
    tpu.barrier barrier_id(%barrier3A)
    %add3A_47 = arith.constant 0 : i32
    %add3A_48 = arith.addi %add3A, %add3A_47 : i32
    %mul3A_49 = arith.constant 128 : i32
    %mul3A_50 = arith.muli %add3A_48, %mul3A_49 : i32
    %dma_start3A = tpu.memref_slice %arg3[%mul3A_50] : memref<320000xi32, #tpu.memory_space<hbm>> -> memref<128xi32, #tpu.memory_space<hbm>>
    %dma_start3A_51 = tpu.memref_slice %arg3[%mul3A_50] : memref<320000xi32, #tpu.memory_space<hbm>> -> memref<128xi32, #tpu.memory_space<hbm>>
    tpu.enqueue_dma source(%dma_start3A_51 : memref<128xi32, #tpu.memory_space<hbm>>) target(%arg9 : memref<128xi32, #tpu.memory_space<vmem>>) target_semaphore(%arg23 : memref<!tpu.dma_semaphore, #tpu.memory_space<semaphore_mem>>)
    %dma_start3A_52 = tpu.memref_slice %arg4[%mul3A_50] : memref<320000xi32, #tpu.memory_space<hbm>> -> memref<128xi32, #tpu.memory_space<hbm>>
    %dma_start3A_53 = tpu.memref_slice %arg4[%mul3A_50] : memref<320000xi32, #tpu.memory_space<hbm>> -> memref<128xi32, #tpu.memory_space<hbm>>
    tpu.enqueue_dma source(%dma_start3A_53 : memref<128xi32, #tpu.memory_space<hbm>>) target(%arg11 : memref<128xi32, #tpu.memory_space<vmem>>) target_semaphore(%arg23 : memref<!tpu.dma_semaphore, #tpu.memory_space<semaphore_mem>>)
    %add3A_54 = arith.constant 32 : i32
    %add3A_55 = arith.addi %add3A, %add3A_54 : i32
    %mul3A_56 = arith.constant 128 : i32
    %mul3A_57 = arith.muli %add3A_55, %mul3A_56 : i32
    %dma_start3A_58 = tpu.memref_slice %arg3[%mul3A_57] : memref<320000xi32, #tpu.memory_space<hbm>> -> memref<128xi32, #tpu.memory_space<hbm>>
    %dma_start3A_59 = tpu.memref_slice %arg3[%mul3A_57] : memref<320000xi32, #tpu.memory_space<hbm>> -> memref<128xi32, #tpu.memory_space<hbm>>
    tpu.enqueue_dma source(%dma_start3A_59 : memref<128xi32, #tpu.memory_space<hbm>>) target(%arg10 : memref<128xi32, #tpu.memory_space<vmem>>) target_semaphore(%arg24 : memref<!tpu.dma_semaphore, #tpu.memory_space<semaphore_mem>>)
    %dma_start3A_60 = tpu.memref_slice %arg4[%mul3A_57] : memref<320000xi32, #tpu.memory_space<hbm>> -> memref<128xi32, #tpu.memory_space<hbm>>
    %dma_start3A_61 = tpu.memref_slice %arg4[%mul3A_57] : memref<320000xi32, #tpu.memory_space<hbm>> -> memref<128xi32, #tpu.memory_space<hbm>>
    tpu.enqueue_dma source(%dma_start3A_61 : memref<128xi32, #tpu.memory_space<hbm>>) target(%arg12 : memref<128xi32, #tpu.memory_space<vmem>>) target_semaphore(%arg24 : memref<!tpu.dma_semaphore, #tpu.memory_space<semaphore_mem>>)
    %dma_wait3A = arith.constant 0 : i32
    %dma_wait3A_62 = tpu.memref_slice %arg3[%dma_wait3A] : memref<320000xi32, #tpu.memory_space<hbm>> -> memref<128xi32, #tpu.memory_space<hbm>>
    %dma_wait3A_63 = arith.constant 0 : i32
    %dma_wait3A_64 = tpu.memref_slice %arg3[%dma_wait3A_63] : memref<320000xi32, #tpu.memory_space<hbm>> -> memref<128xi32, #tpu.memory_space<hbm>>
    tpu.wait_dma2 semaphore(%arg23 : memref<!tpu.dma_semaphore, #tpu.memory_space<semaphore_mem>>) src(%dma_wait3A_64 : memref<128xi32, #tpu.memory_space<hbm>>) dst(%arg9 : memref<128xi32, #tpu.memory_space<vmem>>)
    %dma_wait3A_65 = arith.constant 0 : i32
    %dma_wait3A_66 = tpu.memref_slice %arg4[%dma_wait3A_65] : memref<320000xi32, #tpu.memory_space<hbm>> -> memref<128xi32, #tpu.memory_space<hbm>>
    %dma_wait3A_67 = arith.constant 0 : i32
    %dma_wait3A_68 = tpu.memref_slice %arg4[%dma_wait3A_67] : memref<320000xi32, #tpu.memory_space<hbm>> -> memref<128xi32, #tpu.memory_space<hbm>>
    tpu.wait_dma2 semaphore(%arg23 : memref<!tpu.dma_semaphore, #tpu.memory_space<semaphore_mem>>) src(%dma_wait3A_68 : memref<128xi32, #tpu.memory_space<hbm>>) dst(%arg11 : memref<128xi32, #tpu.memory_space<vmem>>)
    %dma_start3A_69 = arith.constant 0 : i32
    %dma_start3A_70 = arith.constant 0 : i32
    %dma_start3A_71 = tpu.memref_slice %arg2[%dma_start3A_69, %dma_start3A_70] : memref<10000x128xf32, #tpu.memory_space<hbm>> -> memref<10000x128xf32, #tpu.memory_space<hbm>>
    tpu.enqueue_indirect_dma source(%dma_start3A_71 : memref<10000x128xf32, #tpu.memory_space<hbm>>) target(%arg7 : memref<128x128xf32, #tpu.memory_space<vmem>>) offsets(%arg9 : memref<128xi32, #tpu.memory_space<vmem>>) semaphore(%arg19 : memref<!tpu.dma_semaphore, #tpu.memory_space<semaphore_mem>>)
    %scan3A_72 = arith.constant 0 : i32
    %scan3A_73 = arith.constant 40 : i32
    %scan3A_74 = arith.addi %scan3A_72, %scan3A_73 : i32
    %scan3A_75 = arith.constant 1 : i32
    scf.for %scan3A_106 = %scan3A_72 to %scan3A_74 step %scan3A_75  : i32 {
      %mul3A_107 = arith.constant 2 : i32
      %mul3A_108 = arith.muli %scan3A_106, %mul3A_107 : i32
      %add3A_109 = arith.constant 0 : i32
      %add3A_110 = arith.addi %add3A_109, %mul3A_108 : i32
      %add3A_111 = arith.constant 0 : i32
      %add3A_112 = arith.addi %add3A_110, %add3A_111 : i32
      %mul3A_113 = arith.constant 32 : i32
      %mul3A_114 = arith.muli %add3A_112, %mul3A_113 : i32
      %add3A_115 = arith.addi %add3A, %mul3A_114 : i32
      %lt3A_116 = arith.constant 2500 : i32
      %lt3A_117 = arith.cmpi slt, %add3A_115, %lt3A_116 : i32
      %convert_element_type3A_118 = arith.extui %lt3A_117 : i1 to i32
      %cond3A_119 = arith.constant 0 : i32
      %cond3A_120 = arith.cmpi ne, %convert_element_type3A_118, %cond3A_119 : i32
      scf.if %cond3A_120 {
        %dma_wait3A_131 = arith.constant 0 : i32
        %dma_wait3A_132 = arith.constant 0 : i32
        %dma_wait3A_133 = tpu.memref_slice %arg2[%dma_wait3A_131, %dma_wait3A_132] : memref<10000x128xf32, #tpu.memory_space<hbm>> -> memref<10000x128xf32, #tpu.memory_space<hbm>>
        tpu.wait_indirect_dma semaphore(%arg19 : memref<!tpu.dma_semaphore, #tpu.memory_space<semaphore_mem>>) src(%dma_wait3A_133 : memref<10000x128xf32, #tpu.memory_space<hbm>>) dst(%arg7 : memref<128x128xf32, #tpu.memory_space<vmem>>)
        %add3A_134 = arith.constant 1 : i32
        %add3A_135 = arith.addi %add3A_112, %add3A_134 : i32
        %mul3A_136 = arith.constant 32 : i32
        %mul3A_137 = arith.muli %add3A_135, %mul3A_136 : i32
        %add3A_138 = arith.addi %add3A, %mul3A_137 : i32
        %lt3A_139 = arith.constant 2500 : i32
        %lt3A_140 = arith.cmpi slt, %add3A_138, %lt3A_139 : i32
        %convert_element_type3A_141 = arith.extui %lt3A_140 : i1 to i32
        %cond3A_142 = arith.constant 0 : i32
        %cond3A_143 = arith.cmpi ne, %convert_element_type3A_141, %cond3A_142 : i32
        scf.if %cond3A_143 {
          %ge3A = arith.constant 1 : i32
          %ge3A_603 = arith.cmpi sge, %add3A_112, %ge3A : i32
          %convert_element_type3A_604 = arith.extui %ge3A_603 : i1 to i32
          %cond3A_605 = arith.constant 0 : i32
          %cond3A_606 = arith.cmpi ne, %convert_element_type3A_604, %cond3A_605 : i32
          scf.if %cond3A_606 {
            %dma_wait3A_618 = arith.constant 0 : i32
            %dma_wait3A_619 = arith.constant 0 : i32
            %dma_wait3A_620 = tpu.memref_slice %arg17[%dma_wait3A_618, %dma_wait3A_619] : memref<10000x128xf32, #tpu.memory_space<vmem_shared>> -> memref<10000x128xf32, #tpu.memory_space<vmem_shared>>
            tpu.wait_indirect_dma semaphore(%arg22 : memref<!tpu.dma_semaphore, #tpu.memory_space<semaphore_mem>>) src(%arg8 : memref<128x128xf32, #tpu.memory_space<vmem>>) dst(%dma_wait3A_620 : memref<10000x128xf32, #tpu.memory_space<vmem_shared>>)
          } else {
          }
          %dma_wait3A_607 = arith.constant 0 : i32
          %dma_wait3A_608 = tpu.memref_slice %arg3[%dma_wait3A_607] : memref<320000xi32, #tpu.memory_space<hbm>> -> memref<128xi32, #tpu.memory_space<hbm>>
          %dma_wait3A_609 = arith.constant 0 : i32
          %dma_wait3A_610 = tpu.memref_slice %arg3[%dma_wait3A_609] : memref<320000xi32, #tpu.memory_space<hbm>> -> memref<128xi32, #tpu.memory_space<hbm>>
          tpu.wait_dma2 semaphore(%arg24 : memref<!tpu.dma_semaphore, #tpu.memory_space<semaphore_mem>>) src(%dma_wait3A_610 : memref<128xi32, #tpu.memory_space<hbm>>) dst(%arg10 : memref<128xi32, #tpu.memory_space<vmem>>)
          %dma_wait3A_611 = arith.constant 0 : i32
          %dma_wait3A_612 = tpu.memref_slice %arg4[%dma_wait3A_611] : memref<320000xi32, #tpu.memory_space<hbm>> -> memref<128xi32, #tpu.memory_space<hbm>>
          %dma_wait3A_613 = arith.constant 0 : i32
          %dma_wait3A_614 = tpu.memref_slice %arg4[%dma_wait3A_613] : memref<320000xi32, #tpu.memory_space<hbm>> -> memref<128xi32, #tpu.memory_space<hbm>>
          tpu.wait_dma2 semaphore(%arg24 : memref<!tpu.dma_semaphore, #tpu.memory_space<semaphore_mem>>) src(%dma_wait3A_614 : memref<128xi32, #tpu.memory_space<hbm>>) dst(%arg12 : memref<128xi32, #tpu.memory_space<vmem>>)
          %dma_start3A_615 = arith.constant 0 : i32
          %dma_start3A_616 = arith.constant 0 : i32
          %dma_start3A_617 = tpu.memref_slice %arg2[%dma_start3A_615, %dma_start3A_616] : memref<10000x128xf32, #tpu.memory_space<hbm>> -> memref<10000x128xf32, #tpu.memory_space<hbm>>
          tpu.enqueue_indirect_dma source(%dma_start3A_617 : memref<10000x128xf32, #tpu.memory_space<hbm>>) target(%arg8 : memref<128x128xf32, #tpu.memory_space<vmem>>) offsets(%arg10 : memref<128xi32, #tpu.memory_space<vmem>>) semaphore(%arg20 : memref<!tpu.dma_semaphore, #tpu.memory_space<semaphore_mem>>)
        } else {
        }
        %get3A = arith.constant 0 : index
        %get3A_144 = tpu.vector_load %arg11[%get3A] {strides = array<i32>} : memref<128xi32, #tpu.memory_space<vmem>>, vector<16xi32>,
        %swap3A_145 = arith.constant 0 : index
        %swap3A_146 = tpu.vector_load %arg13[%swap3A_145] {strides = array<i32>} : memref<128xi32, #tpu.memory_space<vmem>>, vector<16xi32>,
        tpu.vector_store %arg13[%swap3A_145], %get3A_144 {strides = array<i32>} : memref<128xi32, #tpu.memory_space<vmem>>, vector<16xi32>,
        %jit3A = arith.constant 128 : i32
        %div3A = vector.broadcast %jit3A : i32 to vector<16xi32>
        %div3A_147 = arith.divsi %get3A_144, %div3A : vector<16xi32>
        %sign3A = arith.constant 0 : i32
        %sign3A_148 = vector.broadcast %sign3A : i32 to vector<16xi32>
        %sign3A_149 = arith.cmpi sgt, %get3A_144, %sign3A_148 : vector<16xi32>
        %sign3A_150 = arith.extui %sign3A_149 : vector<16xi1> to vector<16xi32>
        %sign3A_151 = arith.constant 0 : i32
        %sign3A_152 = vector.broadcast %sign3A_151 : i32 to vector<16xi32>
        %sign3A_153 = arith.cmpi slt, %get3A_144, %sign3A_152 : vector<16xi32>
        %sign3A_154 = arith.extui %sign3A_153 : vector<16xi1> to vector<16xi32>
        %sign3A_155 = arith.subi %sign3A_150, %sign3A_154 : vector<16xi32>
        %sign3A_156 = arith.constant 0 : i32
        %sign3A_157 = arith.cmpi sgt, %jit3A, %sign3A_156 : i32
        %sign3A_158 = arith.extui %sign3A_157 : i1 to i32
        %sign3A_159 = arith.constant 0 : i32
        %sign3A_160 = arith.cmpi slt, %jit3A, %sign3A_159 : i32
        %sign3A_161 = arith.extui %sign3A_160 : i1 to i32
        %sign3A_162 = arith.subi %sign3A_158, %sign3A_161 : i32
        %ne3A = vector.broadcast %sign3A_162 : i32 to vector<16xi32>
        %ne3A_163 = arith.cmpi ne, %sign3A_155, %ne3A : vector<16xi32>
        %rem3A = vector.broadcast %jit3A : i32 to vector<16xi32>
        %rem3A_164 = arith.remsi %get3A_144, %rem3A : vector<16xi32>
        %ne3A_165 = arith.constant 0 : i32
        %ne3A_166 = vector.broadcast %ne3A_165 : i32 to vector<16xi32>
        %ne3A_167 = arith.cmpi ne, %rem3A_164, %ne3A_166 : vector<16xi32>
        %and3A = arith.andi %ne3A_163, %ne3A_167 : vector<16xi1>
        %sub3A = arith.constant 1 : i32
        %sub3A_168 = vector.broadcast %sub3A : i32 to vector<16xi32>
        %sub3A_169 = arith.subi %div3A_147, %sub3A_168 : vector<16xi32>
        %select_n3A = arith.select %and3A, %sub3A_169, %div3A_147 : vector<16xi1>, vector<16xi32>
        %jit3A_170 = arith.constant 128 : i32
        %eq3A = arith.constant 0 : i32
        %eq3A_171 = arith.cmpi eq, %jit3A_170, %eq3A : i32
        %jit3A_172 = arith.constant 1 : i32
        %select_n3A_173 = arith.select %eq3A_171, %jit3A_172, %jit3A_170 : i32
        %rem3A_174 = vector.broadcast %select_n3A_173 : i32 to vector<16xi32>
        %rem3A_175 = arith.remsi %get3A_144, %rem3A_174 : vector<16xi32>
        %ne3A_176 = arith.constant 0 : i32
        %ne3A_177 = vector.broadcast %ne3A_176 : i32 to vector<16xi32>
        %ne3A_178 = arith.cmpi ne, %rem3A_175, %ne3A_177 : vector<16xi32>
        %lt3A_179 = arith.constant 0 : i32
        %lt3A_180 = vector.broadcast %lt3A_179 : i32 to vector<16xi32>
        %lt3A_181 = arith.cmpi slt, %rem3A_175, %lt3A_180 : vector<16xi32>
        %lt3A_182 = arith.constant 0 : i32
        %lt3A_183 = arith.cmpi slt, %select_n3A_173, %lt3A_182 : i32
        %ne3A_184 = vector.broadcast %lt3A_183 : i1 to vector<16xi1>
        %ne3A_185 = vector.broadcast %ne3A_184 : vector<16xi1> to vector<16xi1>
        %ne3A_186 = arith.xori %lt3A_181, %ne3A_185 : vector<16xi1>
        %and3A_187 = arith.andi %ne3A_186, %ne3A_178 : vector<16xi1>
        %add3A_188 = vector.broadcast %select_n3A_173 : i32 to vector<16xi32>
        %add3A_189 = arith.addi %rem3A_175, %add3A_188 : vector<16xi32>
        %select_n3A_190 = arith.select %and3A_187, %add3A_189, %rem3A_175 : vector<16xi1>, vector<16xi32>
        tpu.vector_store_idx %arg15[%select_n3A, %select_n3A_190], %broadcast_in_dim3A_3 {add = true} : memref<80x128xf32, #tpu.memory_space<vmem>>[vector<16xi32>, vector<16xi32>], vector<16xf32>,
        %get3A_191 = arith.constant 16 : index
        %get3A_192 = tpu.vector_load %arg11[%get3A_191] {strides = array<i32>} : memref<128xi32, #tpu.memory_space<vmem>>, vector<16xi32>,
        %swap3A_193 = arith.constant 16 : index
        %swap3A_194 = tpu.vector_load %arg13[%swap3A_193] {strides = array<i32>} : memref<128xi32, #tpu.memory_space<vmem>>, vector<16xi32>,
        tpu.vector_store %arg13[%swap3A_193], %get3A_192 {strides = array<i32>} : memref<128xi32, #tpu.memory_space<vmem>>, vector<16xi32>,
        %jit3A_195 = arith.constant 128 : i32
        %div3A_196 = vector.broadcast %jit3A_195 : i32 to vector<16xi32>
        %div3A_197 = arith.divsi %get3A_192, %div3A_196 : vector<16xi32>
        %sign3A_198 = arith.constant 0 : i32
        %sign3A_199 = vector.broadcast %sign3A_198 : i32 to vector<16xi32>
        %sign3A_200 = arith.cmpi sgt, %get3A_192, %sign3A_199 : vector<16xi32>
        %sign3A_201 = arith.extui %sign3A_200 : vector<16xi1> to vector<16xi32>
        %sign3A_202 = arith.constant 0 : i32
        %sign3A_203 = vector.broadcast %sign3A_202 : i32 to vector<16xi32>
        %sign3A_204 = arith.cmpi slt, %get3A_192, %sign3A_203 : vector<16xi32>
        %sign3A_205 = arith.extui %sign3A_204 : vector<16xi1> to vector<16xi32>
        %sign3A_206 = arith.subi %sign3A_201, %sign3A_205 : vector<16xi32>
        %sign3A_207 = arith.constant 0 : i32
        %sign3A_208 = arith.cmpi sgt, %jit3A_195, %sign3A_207 : i32
        %sign3A_209 = arith.extui %sign3A_208 : i1 to i32
        %sign3A_210 = arith.constant 0 : i32
        %sign3A_211 = arith.cmpi slt, %jit3A_195, %sign3A_210 : i32
        %sign3A_212 = arith.extui %sign3A_211 : i1 to i32
        %sign3A_213 = arith.subi %sign3A_209, %sign3A_212 : i32
        %ne3A_214 = vector.broadcast %sign3A_213 : i32 to vector<16xi32>
        %ne3A_215 = arith.cmpi ne, %sign3A_206, %ne3A_214 : vector<16xi32>
        %rem3A_216 = vector.broadcast %jit3A_195 : i32 to vector<16xi32>
        %rem3A_217 = arith.remsi %get3A_192, %rem3A_216 : vector<16xi32>
        %ne3A_218 = arith.constant 0 : i32
        %ne3A_219 = vector.broadcast %ne3A_218 : i32 to vector<16xi32>
        %ne3A_220 = arith.cmpi ne, %rem3A_217, %ne3A_219 : vector<16xi32>
        %and3A_221 = arith.andi %ne3A_215, %ne3A_220 : vector<16xi1>
        %sub3A_222 = arith.constant 1 : i32
        %sub3A_223 = vector.broadcast %sub3A_222 : i32 to vector<16xi32>
        %sub3A_224 = arith.subi %div3A_197, %sub3A_223 : vector<16xi32>
        %select_n3A_225 = arith.select %and3A_221, %sub3A_224, %div3A_197 : vector<16xi1>, vector<16xi32>
        %jit3A_226 = arith.constant 128 : i32
        %eq3A_227 = arith.constant 0 : i32
        %eq3A_228 = arith.cmpi eq, %jit3A_226, %eq3A_227 : i32
        %jit3A_229 = arith.constant 1 : i32
        %select_n3A_230 = arith.select %eq3A_228, %jit3A_229, %jit3A_226 : i32
        %rem3A_231 = vector.broadcast %select_n3A_230 : i32 to vector<16xi32>
        %rem3A_232 = arith.remsi %get3A_192, %rem3A_231 : vector<16xi32>
        %ne3A_233 = arith.constant 0 : i32
        %ne3A_234 = vector.broadcast %ne3A_233 : i32 to vector<16xi32>
        %ne3A_235 = arith.cmpi ne, %rem3A_232, %ne3A_234 : vector<16xi32>
        %lt3A_236 = arith.constant 0 : i32
        %lt3A_237 = vector.broadcast %lt3A_236 : i32 to vector<16xi32>
        %lt3A_238 = arith.cmpi slt, %rem3A_232, %lt3A_237 : vector<16xi32>
        %lt3A_239 = arith.constant 0 : i32
        %lt3A_240 = arith.cmpi slt, %select_n3A_230, %lt3A_239 : i32
        %ne3A_241 = vector.broadcast %lt3A_240 : i1 to vector<16xi1>
        %ne3A_242 = vector.broadcast %ne3A_241 : vector<16xi1> to vector<16xi1>
        %ne3A_243 = arith.xori %lt3A_238, %ne3A_242 : vector<16xi1>
        %and3A_244 = arith.andi %ne3A_243, %ne3A_235 : vector<16xi1>
        %add3A_245 = vector.broadcast %select_n3A_230 : i32 to vector<16xi32>
        %add3A_246 = arith.addi %rem3A_232, %add3A_245 : vector<16xi32>
        %select_n3A_247 = arith.select %and3A_244, %add3A_246, %rem3A_232 : vector<16xi1>, vector<16xi32>
        tpu.vector_store_idx %arg15[%select_n3A_225, %select_n3A_247], %broadcast_in_dim3A_3 {add = true} : memref<80x128xf32, #tpu.memory_space<vmem>>[vector<16xi32>, vector<16xi32>], vector<16xf32>,
        %get3A_248 = arith.constant 32 : index
        %get3A_249 = tpu.vector_load %arg11[%get3A_248] {strides = array<i32>} : memref<128xi32, #tpu.memory_space<vmem>>, vector<16xi32>,
        %swap3A_250 = arith.constant 32 : index
        %swap3A_251 = tpu.vector_load %arg13[%swap3A_250] {strides = array<i32>} : memref<128xi32, #tpu.memory_space<vmem>>, vector<16xi32>,
        tpu.vector_store %arg13[%swap3A_250], %get3A_249 {strides = array<i32>} : memref<128xi32, #tpu.memory_space<vmem>>, vector<16xi32>,
        %jit3A_252 = arith.constant 128 : i32
        %div3A_253 = vector.broadcast %jit3A_252 : i32 to vector<16xi32>
        %div3A_254 = arith.divsi %get3A_249, %div3A_253 : vector<16xi32>
        %sign3A_255 = arith.constant 0 : i32
        %sign3A_256 = vector.broadcast %sign3A_255 : i32 to vector<16xi32>
        %sign3A_257 = arith.cmpi sgt, %get3A_249, %sign3A_256 : vector<16xi32>
        %sign3A_258 = arith.extui %sign3A_257 : vector<16xi1> to vector<16xi32>
        %sign3A_259 = arith.constant 0 : i32
        %sign3A_260 = vector.broadcast %sign3A_259 : i32 to vector<16xi32>
        %sign3A_261 = arith.cmpi slt, %get3A_249, %sign3A_260 : vector<16xi32>
        %sign3A_262 = arith.extui %sign3A_261 : vector<16xi1> to vector<16xi32>
        %sign3A_263 = arith.subi %sign3A_258, %sign3A_262 : vector<16xi32>
        %sign3A_264 = arith.constant 0 : i32
        %sign3A_265 = arith.cmpi sgt, %jit3A_252, %sign3A_264 : i32
        %sign3A_266 = arith.extui %sign3A_265 : i1 to i32
        %sign3A_267 = arith.constant 0 : i32
        %sign3A_268 = arith.cmpi slt, %jit3A_252, %sign3A_267 : i32
        %sign3A_269 = arith.extui %sign3A_268 : i1 to i32
        %sign3A_270 = arith.subi %sign3A_266, %sign3A_269 : i32
        %ne3A_271 = vector.broadcast %sign3A_270 : i32 to vector<16xi32>
        %ne3A_272 = arith.cmpi ne, %sign3A_263, %ne3A_271 : vector<16xi32>
        %rem3A_273 = vector.broadcast %jit3A_252 : i32 to vector<16xi32>
        %rem3A_274 = arith.remsi %get3A_249, %rem3A_273 : vector<16xi32>
        %ne3A_275 = arith.constant 0 : i32
        %ne3A_276 = vector.broadcast %ne3A_275 : i32 to vector<16xi32>
        %ne3A_277 = arith.cmpi ne, %rem3A_274, %ne3A_276 : vector<16xi32>
        %and3A_278 = arith.andi %ne3A_272, %ne3A_277 : vector<16xi1>
        %sub3A_279 = arith.constant 1 : i32
        %sub3A_280 = vector.broadcast %sub3A_279 : i32 to vector<16xi32>
        %sub3A_281 = arith.subi %div3A_254, %sub3A_280 : vector<16xi32>
        %select_n3A_282 = arith.select %and3A_278, %sub3A_281, %div3A_254 : vector<16xi1>, vector<16xi32>
        %jit3A_283 = arith.constant 128 : i32
        %eq3A_284 = arith.constant 0 : i32
        %eq3A_285 = arith.cmpi eq, %jit3A_283, %eq3A_284 : i32
        %jit3A_286 = arith.constant 1 : i32
        %select_n3A_287 = arith.select %eq3A_285, %jit3A_286, %jit3A_283 : i32
        %rem3A_288 = vector.broadcast %select_n3A_287 : i32 to vector<16xi32>
        %rem3A_289 = arith.remsi %get3A_249, %rem3A_288 : vector<16xi32>
        %ne3A_290 = arith.constant 0 : i32
        %ne3A_291 = vector.broadcast %ne3A_290 : i32 to vector<16xi32>
        %ne3A_292 = arith.cmpi ne, %rem3A_289, %ne3A_291 : vector<16xi32>
        %lt3A_293 = arith.constant 0 : i32
        %lt3A_294 = vector.broadcast %lt3A_293 : i32 to vector<16xi32>
        %lt3A_295 = arith.cmpi slt, %rem3A_289, %lt3A_294 : vector<16xi32>
        %lt3A_296 = arith.constant 0 : i32
        %lt3A_297 = arith.cmpi slt, %select_n3A_287, %lt3A_296 : i32
        %ne3A_298 = vector.broadcast %lt3A_297 : i1 to vector<16xi1>
        %ne3A_299 = vector.broadcast %ne3A_298 : vector<16xi1> to vector<16xi1>
        %ne3A_300 = arith.xori %lt3A_295, %ne3A_299 : vector<16xi1>
        %and3A_301 = arith.andi %ne3A_300, %ne3A_292 : vector<16xi1>
        %add3A_302 = vector.broadcast %select_n3A_287 : i32 to vector<16xi32>
        %add3A_303 = arith.addi %rem3A_289, %add3A_302 : vector<16xi32>
        %select_n3A_304 = arith.select %and3A_301, %add3A_303, %rem3A_289 : vector<16xi1>, vector<16xi32>
        tpu.vector_store_idx %arg15[%select_n3A_282, %select_n3A_304], %broadcast_in_dim3A_3 {add = true} : memref<80x128xf32, #tpu.memory_space<vmem>>[vector<16xi32>, vector<16xi32>], vector<16xf32>,
        %get3A_305 = arith.constant 48 : index
        %get3A_306 = tpu.vector_load %arg11[%get3A_305] {strides = array<i32>} : memref<128xi32, #tpu.memory_space<vmem>>, vector<16xi32>,
        %swap3A_307 = arith.constant 48 : index
        %swap3A_308 = tpu.vector_load %arg13[%swap3A_307] {strides = array<i32>} : memref<128xi32, #tpu.memory_space<vmem>>, vector<16xi32>,
        tpu.vector_store %arg13[%swap3A_307], %get3A_306 {strides = array<i32>} : memref<128xi32, #tpu.memory_space<vmem>>, vector<16xi32>,
        %jit3A_309 = arith.constant 128 : i32
        %div3A_310 = vector.broadcast %jit3A_309 : i32 to vector<16xi32>
        %div3A_311 = arith.divsi %get3A_306, %div3A_310 : vector<16xi32>
        %sign3A_312 = arith.constant 0 : i32
        %sign3A_313 = vector.broadcast %sign3A_312 : i32 to vector<16xi32>
        %sign3A_314 = arith.cmpi sgt, %get3A_306, %sign3A_313 : vector<16xi32>
        %sign3A_315 = arith.extui %sign3A_314 : vector<16xi1> to vector<16xi32>
        %sign3A_316 = arith.constant 0 : i32
        %sign3A_317 = vector.broadcast %sign3A_316 : i32 to vector<16xi32>
        %sign3A_318 = arith.cmpi slt, %get3A_306, %sign3A_317 : vector<16xi32>
        %sign3A_319 = arith.extui %sign3A_318 : vector<16xi1> to vector<16xi32>
        %sign3A_320 = arith.subi %sign3A_315, %sign3A_319 : vector<16xi32>
        %sign3A_321 = arith.constant 0 : i32
        %sign3A_322 = arith.cmpi sgt, %jit3A_309, %sign3A_321 : i32
        %sign3A_323 = arith.extui %sign3A_322 : i1 to i32
        %sign3A_324 = arith.constant 0 : i32
        %sign3A_325 = arith.cmpi slt, %jit3A_309, %sign3A_324 : i32
        %sign3A_326 = arith.extui %sign3A_325 : i1 to i32
        %sign3A_327 = arith.subi %sign3A_323, %sign3A_326 : i32
        %ne3A_328 = vector.broadcast %sign3A_327 : i32 to vector<16xi32>
        %ne3A_329 = arith.cmpi ne, %sign3A_320, %ne3A_328 : vector<16xi32>
        %rem3A_330 = vector.broadcast %jit3A_309 : i32 to vector<16xi32>
        %rem3A_331 = arith.remsi %get3A_306, %rem3A_330 : vector<16xi32>
        %ne3A_332 = arith.constant 0 : i32
        %ne3A_333 = vector.broadcast %ne3A_332 : i32 to vector<16xi32>
        %ne3A_334 = arith.cmpi ne, %rem3A_331, %ne3A_333 : vector<16xi32>
        %and3A_335 = arith.andi %ne3A_329, %ne3A_334 : vector<16xi1>
        %sub3A_336 = arith.constant 1 : i32
        %sub3A_337 = vector.broadcast %sub3A_336 : i32 to vector<16xi32>
        %sub3A_338 = arith.subi %div3A_311, %sub3A_337 : vector<16xi32>
        %select_n3A_339 = arith.select %and3A_335, %sub3A_338, %div3A_311 : vector<16xi1>, vector<16xi32>
        %jit3A_340 = arith.constant 128 : i32
        %eq3A_341 = arith.constant 0 : i32
        %eq3A_342 = arith.cmpi eq, %jit3A_340, %eq3A_341 : i32
        %jit3A_343 = arith.constant 1 : i32
        %select_n3A_344 = arith.select %eq3A_342, %jit3A_343, %jit3A_340 : i32
        %rem3A_345 = vector.broadcast %select_n3A_344 : i32 to vector<16xi32>
        %rem3A_346 = arith.remsi %get3A_306, %rem3A_345 : vector<16xi32>
        %ne3A_347 = arith.constant 0 : i32
        %ne3A_348 = vector.broadcast %ne3A_347 : i32 to vector<16xi32>
        %ne3A_349 = arith.cmpi ne, %rem3A_346, %ne3A_348 : vector<16xi32>
        %lt3A_350 = arith.constant 0 : i32
        %lt3A_351 = vector.broadcast %lt3A_350 : i32 to vector<16xi32>
        %lt3A_352 = arith.cmpi slt, %rem3A_346, %lt3A_351 : vector<16xi32>
        %lt3A_353 = arith.constant 0 : i32
        %lt3A_354 = arith.cmpi slt, %select_n3A_344, %lt3A_353 : i32
        %ne3A_355 = vector.broadcast %lt3A_354 : i1 to vector<16xi1>
        %ne3A_356 = vector.broadcast %ne3A_355 : vector<16xi1> to vector<16xi1>
        %ne3A_357 = arith.xori %lt3A_352, %ne3A_356 : vector<16xi1>
        %and3A_358 = arith.andi %ne3A_357, %ne3A_349 : vector<16xi1>
        %add3A_359 = vector.broadcast %select_n3A_344 : i32 to vector<16xi32>
        %add3A_360 = arith.addi %rem3A_346, %add3A_359 : vector<16xi32>
        %select_n3A_361 = arith.select %and3A_358, %add3A_360, %rem3A_346 : vector<16xi1>, vector<16xi32>
        tpu.vector_store_idx %arg15[%select_n3A_339, %select_n3A_361], %broadcast_in_dim3A_3 {add = true} : memref<80x128xf32, #tpu.memory_space<vmem>>[vector<16xi32>, vector<16xi32>], vector<16xf32>,
        %get3A_362 = arith.constant 64 : index
        %get3A_363 = tpu.vector_load %arg11[%get3A_362] {strides = array<i32>} : memref<128xi32, #tpu.memory_space<vmem>>, vector<16xi32>,
        %swap3A_364 = arith.constant 64 : index
        %swap3A_365 = tpu.vector_load %arg13[%swap3A_364] {strides = array<i32>} : memref<128xi32, #tpu.memory_space<vmem>>, vector<16xi32>,
        tpu.vector_store %arg13[%swap3A_364], %get3A_363 {strides = array<i32>} : memref<128xi32, #tpu.memory_space<vmem>>, vector<16xi32>,
        %jit3A_366 = arith.constant 128 : i32
        %div3A_367 = vector.broadcast %jit3A_366 : i32 to vector<16xi32>
        %div3A_368 = arith.divsi %get3A_363, %div3A_367 : vector<16xi32>
        %sign3A_369 = arith.constant 0 : i32
        %sign3A_370 = vector.broadcast %sign3A_369 : i32 to vector<16xi32>
        %sign3A_371 = arith.cmpi sgt, %get3A_363, %sign3A_370 : vector<16xi32>
        %sign3A_372 = arith.extui %sign3A_371 : vector<16xi1> to vector<16xi32>
        %sign3A_373 = arith.constant 0 : i32
        %sign3A_374 = vector.broadcast %sign3A_373 : i32 to vector<16xi32>
        %sign3A_375 = arith.cmpi slt, %get3A_363, %sign3A_374 : vector<16xi32>
        %sign3A_376 = arith.extui %sign3A_375 : vector<16xi1> to vector<16xi32>
        %sign3A_377 = arith.subi %sign3A_372, %sign3A_376 : vector<16xi32>
        %sign3A_378 = arith.constant 0 : i32
        %sign3A_379 = arith.cmpi sgt, %jit3A_366, %sign3A_378 : i32
        %sign3A_380 = arith.extui %sign3A_379 : i1 to i32
        %sign3A_381 = arith.constant 0 : i32
        %sign3A_382 = arith.cmpi slt, %jit3A_366, %sign3A_381 : i32
        %sign3A_383 = arith.extui %sign3A_382 : i1 to i32
        %sign3A_384 = arith.subi %sign3A_380, %sign3A_383 : i32
        %ne3A_385 = vector.broadcast %sign3A_384 : i32 to vector<16xi32>
        %ne3A_386 = arith.cmpi ne, %sign3A_377, %ne3A_385 : vector<16xi32>
        %rem3A_387 = vector.broadcast %jit3A_366 : i32 to vector<16xi32>
        %rem3A_388 = arith.remsi %get3A_363, %rem3A_387 : vector<16xi32>
        %ne3A_389 = arith.constant 0 : i32
        %ne3A_390 = vector.broadcast %ne3A_389 : i32 to vector<16xi32>
        %ne3A_391 = arith.cmpi ne, %rem3A_388, %ne3A_390 : vector<16xi32>
        %and3A_392 = arith.andi %ne3A_386, %ne3A_391 : vector<16xi1>
        %sub3A_393 = arith.constant 1 : i32
        %sub3A_394 = vector.broadcast %sub3A_393 : i32 to vector<16xi32>
        %sub3A_395 = arith.subi %div3A_368, %sub3A_394 : vector<16xi32>
        %select_n3A_396 = arith.select %and3A_392, %sub3A_395, %div3A_368 : vector<16xi1>, vector<16xi32>
        %jit3A_397 = arith.constant 128 : i32
        %eq3A_398 = arith.constant 0 : i32
        %eq3A_399 = arith.cmpi eq, %jit3A_397, %eq3A_398 : i32
        %jit3A_400 = arith.constant 1 : i32
        %select_n3A_401 = arith.select %eq3A_399, %jit3A_400, %jit3A_397 : i32
        %rem3A_402 = vector.broadcast %select_n3A_401 : i32 to vector<16xi32>
        %rem3A_403 = arith.remsi %get3A_363, %rem3A_402 : vector<16xi32>
        %ne3A_404 = arith.constant 0 : i32
        %ne3A_405 = vector.broadcast %ne3A_404 : i32 to vector<16xi32>
        %ne3A_406 = arith.cmpi ne, %rem3A_403, %ne3A_405 : vector<16xi32>
        %lt3A_407 = arith.constant 0 : i32
        %lt3A_408 = vector.broadcast %lt3A_407 : i32 to vector<16xi32>
        %lt3A_409 = arith.cmpi slt, %rem3A_403, %lt3A_408 : vector<16xi32>
        %lt3A_410 = arith.constant 0 : i32
        %lt3A_411 = arith.cmpi slt, %select_n3A_401, %lt3A_410 : i32
        %ne3A_412 = vector.broadcast %lt3A_411 : i1 to vector<16xi1>
        %ne3A_413 = vector.broadcast %ne3A_412 : vector<16xi1> to vector<16xi1>
        %ne3A_414 = arith.xori %lt3A_409, %ne3A_413 : vector<16xi1>
        %and3A_415 = arith.andi %ne3A_414, %ne3A_406 : vector<16xi1>
        %add3A_416 = vector.broadcast %select_n3A_401 : i32 to vector<16xi32>
        %add3A_417 = arith.addi %rem3A_403, %add3A_416 : vector<16xi32>
        %select_n3A_418 = arith.select %and3A_415, %add3A_417, %rem3A_403 : vector<16xi1>, vector<16xi32>
        tpu.vector_store_idx %arg15[%select_n3A_396, %select_n3A_418], %broadcast_in_dim3A_3 {add = true} : memref<80x128xf32, #tpu.memory_space<vmem>>[vector<16xi32>, vector<16xi32>], vector<16xf32>,
        %get3A_419 = arith.constant 80 : index
        %get3A_420 = tpu.vector_load %arg11[%get3A_419] {strides = array<i32>} : memref<128xi32, #tpu.memory_space<vmem>>, vector<16xi32>,
        %swap3A_421 = arith.constant 80 : index
        %swap3A_422 = tpu.vector_load %arg13[%swap3A_421] {strides = array<i32>} : memref<128xi32, #tpu.memory_space<vmem>>, vector<16xi32>,
        tpu.vector_store %arg13[%swap3A_421], %get3A_420 {strides = array<i32>} : memref<128xi32, #tpu.memory_space<vmem>>, vector<16xi32>,
        %jit3A_423 = arith.constant 128 : i32
        %div3A_424 = vector.broadcast %jit3A_423 : i32 to vector<16xi32>
        %div3A_425 = arith.divsi %get3A_420, %div3A_424 : vector<16xi32>
        %sign3A_426 = arith.constant 0 : i32
        %sign3A_427 = vector.broadcast %sign3A_426 : i32 to vector<16xi32>
        %sign3A_428 = arith.cmpi sgt, %get3A_420, %sign3A_427 : vector<16xi32>
        %sign3A_429 = arith.extui %sign3A_428 : vector<16xi1> to vector<16xi32>
        %sign3A_430 = arith.constant 0 : i32
        %sign3A_431 = vector.broadcast %sign3A_430 : i32 to vector<16xi32>
        %sign3A_432 = arith.cmpi slt, %get3A_420, %sign3A_431 : vector<16xi32>
        %sign3A_433 = arith.extui %sign3A_432 : vector<16xi1> to vector<16xi32>
        %sign3A_434 = arith.subi %sign3A_429, %sign3A_433 : vector<16xi32>
        %sign3A_435 = arith.constant 0 : i32
        %sign3A_436 = arith.cmpi sgt, %jit3A_423, %sign3A_435 : i32
        %sign3A_437 = arith.extui %sign3A_436 : i1 to i32
        %sign3A_438 = arith.constant 0 : i32
        %sign3A_439 = arith.cmpi slt, %jit3A_423, %sign3A_438 : i32
        %sign3A_440 = arith.extui %sign3A_439 : i1 to i32
        %sign3A_441 = arith.subi %sign3A_437, %sign3A_440 : i32
        %ne3A_442 = vector.broadcast %sign3A_441 : i32 to vector<16xi32>
        %ne3A_443 = arith.cmpi ne, %sign3A_434, %ne3A_442 : vector<16xi32>
        %rem3A_444 = vector.broadcast %jit3A_423 : i32 to vector<16xi32>
        %rem3A_445 = arith.remsi %get3A_420, %rem3A_444 : vector<16xi32>
        %ne3A_446 = arith.constant 0 : i32
        %ne3A_447 = vector.broadcast %ne3A_446 : i32 to vector<16xi32>
        %ne3A_448 = arith.cmpi ne, %rem3A_445, %ne3A_447 : vector<16xi32>
        %and3A_449 = arith.andi %ne3A_443, %ne3A_448 : vector<16xi1>
        %sub3A_450 = arith.constant 1 : i32
        %sub3A_451 = vector.broadcast %sub3A_450 : i32 to vector<16xi32>
        %sub3A_452 = arith.subi %div3A_425, %sub3A_451 : vector<16xi32>
        %select_n3A_453 = arith.select %and3A_449, %sub3A_452, %div3A_425 : vector<16xi1>, vector<16xi32>
        %jit3A_454 = arith.constant 128 : i32
        %eq3A_455 = arith.constant 0 : i32
        %eq3A_456 = arith.cmpi eq, %jit3A_454, %eq3A_455 : i32
        %jit3A_457 = arith.constant 1 : i32
        %select_n3A_458 = arith.select %eq3A_456, %jit3A_457, %jit3A_454 : i32
        %rem3A_459 = vector.broadcast %select_n3A_458 : i32 to vector<16xi32>
        %rem3A_460 = arith.remsi %get3A_420, %rem3A_459 : vector<16xi32>
        %ne3A_461 = arith.constant 0 : i32
        %ne3A_462 = vector.broadcast %ne3A_461 : i32 to vector<16xi32>
        %ne3A_463 = arith.cmpi ne, %rem3A_460, %ne3A_462 : vector<16xi32>
        %lt3A_464 = arith.constant 0 : i32
        %lt3A_465 = vector.broadcast %lt3A_464 : i32 to vector<16xi32>
        %lt3A_466 = arith.cmpi slt, %rem3A_460, %lt3A_465 : vector<16xi32>
        %lt3A_467 = arith.constant 0 : i32
        %lt3A_468 = arith.cmpi slt, %select_n3A_458, %lt3A_467 : i32
        %ne3A_469 = vector.broadcast %lt3A_468 : i1 to vector<16xi1>
        %ne3A_470 = vector.broadcast %ne3A_469 : vector<16xi1> to vector<16xi1>
        %ne3A_471 = arith.xori %lt3A_466, %ne3A_470 : vector<16xi1>
        %and3A_472 = arith.andi %ne3A_471, %ne3A_463 : vector<16xi1>
        %add3A_473 = vector.broadcast %select_n3A_458 : i32 to vector<16xi32>
        %add3A_474 = arith.addi %rem3A_460, %add3A_473 : vector<16xi32>
        %select_n3A_475 = arith.select %and3A_472, %add3A_474, %rem3A_460 : vector<16xi1>, vector<16xi32>
        tpu.vector_store_idx %arg15[%select_n3A_453, %select_n3A_475], %broadcast_in_dim3A_3 {add = true} : memref<80x128xf32, #tpu.memory_space<vmem>>[vector<16xi32>, vector<16xi32>], vector<16xf32>,
        %get3A_476 = arith.constant 96 : index
        %get3A_477 = tpu.vector_load %arg11[%get3A_476] {strides = array<i32>} : memref<128xi32, #tpu.memory_space<vmem>>, vector<16xi32>,
        %swap3A_478 = arith.constant 96 : index
        %swap3A_479 = tpu.vector_load %arg13[%swap3A_478] {strides = array<i32>} : memref<128xi32, #tpu.memory_space<vmem>>, vector<16xi32>,
        tpu.vector_store %arg13[%swap3A_478], %get3A_477 {strides = array<i32>} : memref<128xi32, #tpu.memory_space<vmem>>, vector<16xi32>,
        %jit3A_480 = arith.constant 128 : i32
        %div3A_481 = vector.broadcast %jit3A_480 : i32 to vector<16xi32>
        %div3A_482 = arith.divsi %get3A_477, %div3A_481 : vector<16xi32>
        %sign3A_483 = arith.constant 0 : i32
        %sign3A_484 = vector.broadcast %sign3A_483 : i32 to vector<16xi32>
        %sign3A_485 = arith.cmpi sgt, %get3A_477, %sign3A_484 : vector<16xi32>
        %sign3A_486 = arith.extui %sign3A_485 : vector<16xi1> to vector<16xi32>
        %sign3A_487 = arith.constant 0 : i32
        %sign3A_488 = vector.broadcast %sign3A_487 : i32 to vector<16xi32>
        %sign3A_489 = arith.cmpi slt, %get3A_477, %sign3A_488 : vector<16xi32>
        %sign3A_490 = arith.extui %sign3A_489 : vector<16xi1> to vector<16xi32>
        %sign3A_491 = arith.subi %sign3A_486, %sign3A_490 : vector<16xi32>
        %sign3A_492 = arith.constant 0 : i32
        %sign3A_493 = arith.cmpi sgt, %jit3A_480, %sign3A_492 : i32
        %sign3A_494 = arith.extui %sign3A_493 : i1 to i32
        %sign3A_495 = arith.constant 0 : i32
        %sign3A_496 = arith.cmpi slt, %jit3A_480, %sign3A_495 : i32
        %sign3A_497 = arith.extui %sign3A_496 : i1 to i32
        %sign3A_498 = arith.subi %sign3A_494, %sign3A_497 : i32
        %ne3A_499 = vector.broadcast %sign3A_498 : i32 to vector<16xi32>
        %ne3A_500 = arith.cmpi ne, %sign3A_491, %ne3A_499 : vector<16xi32>
        %rem3A_501 = vector.broadcast %jit3A_480 : i32 to vector<16xi32>
        %rem3A_502 = arith.remsi %get3A_477, %rem3A_501 : vector<16xi32>
        %ne3A_503 = arith.constant 0 : i32
        %ne3A_504 = vector.broadcast %ne3A_503 : i32 to vector<16xi32>
        %ne3A_505 = arith.cmpi ne, %rem3A_502, %ne3A_504 : vector<16xi32>
        %and3A_506 = arith.andi %ne3A_500, %ne3A_505 : vector<16xi1>
        %sub3A_507 = arith.constant 1 : i32
        %sub3A_508 = vector.broadcast %sub3A_507 : i32 to vector<16xi32>
        %sub3A_509 = arith.subi %div3A_482, %sub3A_508 : vector<16xi32>
        %select_n3A_510 = arith.select %and3A_506, %sub3A_509, %div3A_482 : vector<16xi1>, vector<16xi32>
        %jit3A_511 = arith.constant 128 : i32
        %eq3A_512 = arith.constant 0 : i32
        %eq3A_513 = arith.cmpi eq, %jit3A_511, %eq3A_512 : i32
        %jit3A_514 = arith.constant 1 : i32
        %select_n3A_515 = arith.select %eq3A_513, %jit3A_514, %jit3A_511 : i32
        %rem3A_516 = vector.broadcast %select_n3A_515 : i32 to vector<16xi32>
        %rem3A_517 = arith.remsi %get3A_477, %rem3A_516 : vector<16xi32>
        %ne3A_518 = arith.constant 0 : i32
        %ne3A_519 = vector.broadcast %ne3A_518 : i32 to vector<16xi32>
        %ne3A_520 = arith.cmpi ne, %rem3A_517, %ne3A_519 : vector<16xi32>
        %lt3A_521 = arith.constant 0 : i32
        %lt3A_522 = vector.broadcast %lt3A_521 : i32 to vector<16xi32>
        %lt3A_523 = arith.cmpi slt, %rem3A_517, %lt3A_522 : vector<16xi32>
        %lt3A_524 = arith.constant 0 : i32
        %lt3A_525 = arith.cmpi slt, %select_n3A_515, %lt3A_524 : i32
        %ne3A_526 = vector.broadcast %lt3A_525 : i1 to vector<16xi1>
        %ne3A_527 = vector.broadcast %ne3A_526 : vector<16xi1> to vector<16xi1>
        %ne3A_528 = arith.xori %lt3A_523, %ne3A_527 : vector<16xi1>
        %and3A_529 = arith.andi %ne3A_528, %ne3A_520 : vector<16xi1>
        %add3A_530 = vector.broadcast %select_n3A_515 : i32 to vector<16xi32>
        %add3A_531 = arith.addi %rem3A_517, %add3A_530 : vector<16xi32>
        %select_n3A_532 = arith.select %and3A_529, %add3A_531, %rem3A_517 : vector<16xi1>, vector<16xi32>
        tpu.vector_store_idx %arg15[%select_n3A_510, %select_n3A_532], %broadcast_in_dim3A_3 {add = true} : memref<80x128xf32, #tpu.memory_space<vmem>>[vector<16xi32>, vector<16xi32>], vector<16xf32>,
        %get3A_533 = arith.constant 112 : index
        %get3A_534 = tpu.vector_load %arg11[%get3A_533] {strides = array<i32>} : memref<128xi32, #tpu.memory_space<vmem>>, vector<16xi32>,
        %swap3A_535 = arith.constant 112 : index
        %swap3A_536 = tpu.vector_load %arg13[%swap3A_535] {strides = array<i32>} : memref<128xi32, #tpu.memory_space<vmem>>, vector<16xi32>,
        tpu.vector_store %arg13[%swap3A_535], %get3A_534 {strides = array<i32>} : memref<128xi32, #tpu.memory_space<vmem>>, vector<16xi32>,
        %jit3A_537 = arith.constant 128 : i32
        %div3A_538 = vector.broadcast %jit3A_537 : i32 to vector<16xi32>
        %div3A_539 = arith.divsi %get3A_534, %div3A_538 : vector<16xi32>
        %sign3A_540 = arith.constant 0 : i32
        %sign3A_541 = vector.broadcast %sign3A_540 : i32 to vector<16xi32>
        %sign3A_542 = arith.cmpi sgt, %get3A_534, %sign3A_541 : vector<16xi32>
        %sign3A_543 = arith.extui %sign3A_542 : vector<16xi1> to vector<16xi32>
        %sign3A_544 = arith.constant 0 : i32
        %sign3A_545 = vector.broadcast %sign3A_544 : i32 to vector<16xi32>
        %sign3A_546 = arith.cmpi slt, %get3A_534, %sign3A_545 : vector<16xi32>
        %sign3A_547 = arith.extui %sign3A_546 : vector<16xi1> to vector<16xi32>
        %sign3A_548 = arith.subi %sign3A_543, %sign3A_547 : vector<16xi32>
        %sign3A_549 = arith.constant 0 : i32
        %sign3A_550 = arith.cmpi sgt, %jit3A_537, %sign3A_549 : i32
        %sign3A_551 = arith.extui %sign3A_550 : i1 to i32
        %sign3A_552 = arith.constant 0 : i32
        %sign3A_553 = arith.cmpi slt, %jit3A_537, %sign3A_552 : i32
        %sign3A_554 = arith.extui %sign3A_553 : i1 to i32
        %sign3A_555 = arith.subi %sign3A_551, %sign3A_554 : i32
        %ne3A_556 = vector.broadcast %sign3A_555 : i32 to vector<16xi32>
        %ne3A_557 = arith.cmpi ne, %sign3A_548, %ne3A_556 : vector<16xi32>
        %rem3A_558 = vector.broadcast %jit3A_537 : i32 to vector<16xi32>
        %rem3A_559 = arith.remsi %get3A_534, %rem3A_558 : vector<16xi32>
        %ne3A_560 = arith.constant 0 : i32
        %ne3A_561 = vector.broadcast %ne3A_560 : i32 to vector<16xi32>
        %ne3A_562 = arith.cmpi ne, %rem3A_559, %ne3A_561 : vector<16xi32>
        %and3A_563 = arith.andi %ne3A_557, %ne3A_562 : vector<16xi1>
        %sub3A_564 = arith.constant 1 : i32
        %sub3A_565 = vector.broadcast %sub3A_564 : i32 to vector<16xi32>
        %sub3A_566 = arith.subi %div3A_539, %sub3A_565 : vector<16xi32>
        %select_n3A_567 = arith.select %and3A_563, %sub3A_566, %div3A_539 : vector<16xi1>, vector<16xi32>
        %jit3A_568 = arith.constant 128 : i32
        %eq3A_569 = arith.constant 0 : i32
        %eq3A_570 = arith.cmpi eq, %jit3A_568, %eq3A_569 : i32
        %jit3A_571 = arith.constant 1 : i32
        %select_n3A_572 = arith.select %eq3A_570, %jit3A_571, %jit3A_568 : i32
        %rem3A_573 = vector.broadcast %select_n3A_572 : i32 to vector<16xi32>
        %rem3A_574 = arith.remsi %get3A_534, %rem3A_573 : vector<16xi32>
        %ne3A_575 = arith.constant 0 : i32
        %ne3A_576 = vector.broadcast %ne3A_575 : i32 to vector<16xi32>
        %ne3A_577 = arith.cmpi ne, %rem3A_574, %ne3A_576 : vector<16xi32>
        %lt3A_578 = arith.constant 0 : i32
        %lt3A_579 = vector.broadcast %lt3A_578 : i32 to vector<16xi32>
        %lt3A_580 = arith.cmpi slt, %rem3A_574, %lt3A_579 : vector<16xi32>
        %lt3A_581 = arith.constant 0 : i32
        %lt3A_582 = arith.cmpi slt, %select_n3A_572, %lt3A_581 : i32
        %ne3A_583 = vector.broadcast %lt3A_582 : i1 to vector<16xi1>
        %ne3A_584 = vector.broadcast %ne3A_583 : vector<16xi1> to vector<16xi1>
        %ne3A_585 = arith.xori %lt3A_580, %ne3A_584 : vector<16xi1>
        %and3A_586 = arith.andi %ne3A_585, %ne3A_577 : vector<16xi1>
        %add3A_587 = vector.broadcast %select_n3A_572 : i32 to vector<16xi32>
        %add3A_588 = arith.addi %rem3A_574, %add3A_587 : vector<16xi32>
        %select_n3A_589 = arith.select %and3A_586, %add3A_588, %rem3A_574 : vector<16xi1>, vector<16xi32>
        tpu.vector_store_idx %arg15[%select_n3A_567, %select_n3A_589], %broadcast_in_dim3A_3 {add = true} : memref<80x128xf32, #tpu.memory_space<vmem>>[vector<16xi32>, vector<16xi32>], vector<16xf32>,
        %add3A_590 = arith.constant 2 : i32
        %add3A_591 = arith.addi %add3A_112, %add3A_590 : i32
        %mul3A_592 = arith.constant 32 : i32
        %mul3A_593 = arith.muli %add3A_591, %mul3A_592 : i32
        %add3A_594 = arith.addi %add3A, %mul3A_593 : i32
        %lt3A_595 = arith.constant 2500 : i32
        %lt3A_596 = arith.cmpi slt, %add3A_594, %lt3A_595 : i32
        %convert_element_type3A_597 = arith.extui %lt3A_596 : i1 to i32
        %cond3A_598 = arith.constant 0 : i32
        %cond3A_599 = arith.cmpi ne, %convert_element_type3A_597, %cond3A_598 : i32
        scf.if %cond3A_599 {
          %add3A_603 = arith.constant 2 : i32
          %add3A_604 = arith.addi %add3A_112, %add3A_603 : i32
          %mul3A_605 = arith.constant 32 : i32
          %mul3A_606 = arith.muli %add3A_604, %mul3A_605 : i32
          %add3A_607 = arith.addi %add3A, %mul3A_606 : i32
          %mul3A_608 = arith.constant 128 : i32
          %mul3A_609 = arith.muli %add3A_607, %mul3A_608 : i32
          %dma_start3A_610 = tpu.memref_slice %arg3[%mul3A_609] : memref<320000xi32, #tpu.memory_space<hbm>> -> memref<128xi32, #tpu.memory_space<hbm>>
          %dma_start3A_611 = tpu.memref_slice %arg3[%mul3A_609] : memref<320000xi32, #tpu.memory_space<hbm>> -> memref<128xi32, #tpu.memory_space<hbm>>
          tpu.enqueue_dma source(%dma_start3A_611 : memref<128xi32, #tpu.memory_space<hbm>>) target(%arg9 : memref<128xi32, #tpu.memory_space<vmem>>) target_semaphore(%arg23 : memref<!tpu.dma_semaphore, #tpu.memory_space<semaphore_mem>>)
          %dma_start3A_612 = tpu.memref_slice %arg4[%mul3A_609] : memref<320000xi32, #tpu.memory_space<hbm>> -> memref<128xi32, #tpu.memory_space<hbm>>
          %dma_start3A_613 = tpu.memref_slice %arg4[%mul3A_609] : memref<320000xi32, #tpu.memory_space<hbm>> -> memref<128xi32, #tpu.memory_space<hbm>>
          tpu.enqueue_dma source(%dma_start3A_613 : memref<128xi32, #tpu.memory_space<hbm>>) target(%arg11 : memref<128xi32, #tpu.memory_space<vmem>>) target_semaphore(%arg23 : memref<!tpu.dma_semaphore, #tpu.memory_space<semaphore_mem>>)
        } else {
        }
        %dma_start3A_600 = arith.constant 0 : i32
        %dma_start3A_601 = arith.constant 0 : i32
        %dma_start3A_602 = tpu.memref_slice %arg17[%dma_start3A_600, %dma_start3A_601] : memref<10000x128xf32, #tpu.memory_space<vmem_shared>> -> memref<10000x128xf32, #tpu.memory_space<vmem_shared>>
        tpu.enqueue_indirect_dma source(%arg7 : memref<128x128xf32, #tpu.memory_space<vmem>>) target(%dma_start3A_602 : memref<10000x128xf32, #tpu.memory_space<vmem_shared>>) offsets(%arg13 : memref<128xi32, #tpu.memory_space<vmem>>) semaphore(%arg21 : memref<!tpu.dma_semaphore, #tpu.memory_space<semaphore_mem>>) {add = true}
      } else {
      }
      %add3A_121 = arith.constant 1 : i32
      %add3A_122 = arith.addi %add3A_110, %add3A_121 : i32
      %mul3A_123 = arith.constant 32 : i32
      %mul3A_124 = arith.muli %add3A_122, %mul3A_123 : i32
      %add3A_125 = arith.addi %add3A, %mul3A_124 : i32
      %lt3A_126 = arith.constant 2500 : i32
      %lt3A_127 = arith.cmpi slt, %add3A_125, %lt3A_126 : i32
      %convert_element_type3A_128 = arith.extui %lt3A_127 : i1 to i32
      %cond3A_129 = arith.constant 0 : i32
      %cond3A_130 = arith.cmpi ne, %convert_element_type3A_128, %cond3A_129 : i32
      scf.if %cond3A_130 {
        %dma_wait3A_131 = arith.constant 0 : i32
        %dma_wait3A_132 = arith.constant 0 : i32
        %dma_wait3A_133 = tpu.memref_slice %arg2[%dma_wait3A_131, %dma_wait3A_132] : memref<10000x128xf32, #tpu.memory_space<hbm>> -> memref<10000x128xf32, #tpu.memory_space<hbm>>
        tpu.wait_indirect_dma semaphore(%arg20 : memref<!tpu.dma_semaphore, #tpu.memory_space<semaphore_mem>>) src(%dma_wait3A_133 : memref<10000x128xf32, #tpu.memory_space<hbm>>) dst(%arg8 : memref<128x128xf32, #tpu.memory_space<vmem>>)
        %add3A_134 = arith.constant 1 : i32
        %add3A_135 = arith.addi %add3A_122, %add3A_134 : i32
        %mul3A_136 = arith.constant 32 : i32
        %mul3A_137 = arith.muli %add3A_135, %mul3A_136 : i32
        %add3A_138 = arith.addi %add3A, %mul3A_137 : i32
        %lt3A_139 = arith.constant 2500 : i32
        %lt3A_140 = arith.cmpi slt, %add3A_138, %lt3A_139 : i32
        %convert_element_type3A_141 = arith.extui %lt3A_140 : i1 to i32
        %cond3A_142 = arith.constant 0 : i32
        %cond3A_143 = arith.cmpi ne, %convert_element_type3A_141, %cond3A_142 : i32
        scf.if %cond3A_143 {
          %ge3A = arith.constant 1 : i32
          %ge3A_603 = arith.cmpi sge, %add3A_122, %ge3A : i32
          %convert_element_type3A_604 = arith.extui %ge3A_603 : i1 to i32
          %cond3A_605 = arith.constant 0 : i32
          %cond3A_606 = arith.cmpi ne, %convert_element_type3A_604, %cond3A_605 : i32
          scf.if %cond3A_606 {
            %dma_wait3A_618 = arith.constant 0 : i32
            %dma_wait3A_619 = arith.constant 0 : i32
            %dma_wait3A_620 = tpu.memref_slice %arg17[%dma_wait3A_618, %dma_wait3A_619] : memref<10000x128xf32, #tpu.memory_space<vmem_shared>> -> memref<10000x128xf32, #tpu.memory_space<vmem_shared>>
            tpu.wait_indirect_dma semaphore(%arg21 : memref<!tpu.dma_semaphore, #tpu.memory_space<semaphore_mem>>) src(%arg7 : memref<128x128xf32, #tpu.memory_space<vmem>>) dst(%dma_wait3A_620 : memref<10000x128xf32, #tpu.memory_space<vmem_shared>>)
          } else {
          }
          %dma_wait3A_607 = arith.constant 0 : i32
          %dma_wait3A_608 = tpu.memref_slice %arg3[%dma_wait3A_607] : memref<320000xi32, #tpu.memory_space<hbm>> -> memref<128xi32, #tpu.memory_space<hbm>>
          %dma_wait3A_609 = arith.constant 0 : i32
          %dma_wait3A_610 = tpu.memref_slice %arg3[%dma_wait3A_609] : memref<320000xi32, #tpu.memory_space<hbm>> -> memref<128xi32, #tpu.memory_space<hbm>>
          tpu.wait_dma2 semaphore(%arg23 : memref<!tpu.dma_semaphore, #tpu.memory_space<semaphore_mem>>) src(%dma_wait3A_610 : memref<128xi32, #tpu.memory_space<hbm>>) dst(%arg9 : memref<128xi32, #tpu.memory_space<vmem>>)
          %dma_wait3A_611 = arith.constant 0 : i32
          %dma_wait3A_612 = tpu.memref_slice %arg4[%dma_wait3A_611] : memref<320000xi32, #tpu.memory_space<hbm>> -> memref<128xi32, #tpu.memory_space<hbm>>
          %dma_wait3A_613 = arith.constant 0 : i32
          %dma_wait3A_614 = tpu.memref_slice %arg4[%dma_wait3A_613] : memref<320000xi32, #tpu.memory_space<hbm>> -> memref<128xi32, #tpu.memory_space<hbm>>
          tpu.wait_dma2 semaphore(%arg23 : memref<!tpu.dma_semaphore, #tpu.memory_space<semaphore_mem>>) src(%dma_wait3A_614 : memref<128xi32, #tpu.memory_space<hbm>>) dst(%arg11 : memref<128xi32, #tpu.memory_space<vmem>>)
          %dma_start3A_615 = arith.constant 0 : i32
          %dma_start3A_616 = arith.constant 0 : i32
          %dma_start3A_617 = tpu.memref_slice %arg2[%dma_start3A_615, %dma_start3A_616] : memref<10000x128xf32, #tpu.memory_space<hbm>> -> memref<10000x128xf32, #tpu.memory_space<hbm>>
          tpu.enqueue_indirect_dma source(%dma_start3A_617 : memref<10000x128xf32, #tpu.memory_space<hbm>>) target(%arg7 : memref<128x128xf32, #tpu.memory_space<vmem>>) offsets(%arg9 : memref<128xi32, #tpu.memory_space<vmem>>) semaphore(%arg19 : memref<!tpu.dma_semaphore, #tpu.memory_space<semaphore_mem>>)
        } else {
        }
        %get3A = arith.constant 0 : index
        %get3A_144 = tpu.vector_load %arg12[%get3A] {strides = array<i32>} : memref<128xi32, #tpu.memory_space<vmem>>, vector<16xi32>,
        %swap3A_145 = arith.constant 0 : index
        %swap3A_146 = tpu.vector_load %arg14[%swap3A_145] {strides = array<i32>} : memref<128xi32, #tpu.memory_space<vmem>>, vector<16xi32>,
        tpu.vector_store %arg14[%swap3A_145], %get3A_144 {strides = array<i32>} : memref<128xi32, #tpu.memory_space<vmem>>, vector<16xi32>,
        %jit3A = arith.constant 128 : i32
        %div3A = vector.broadcast %jit3A : i32 to vector<16xi32>
        %div3A_147 = arith.divsi %get3A_144, %div3A : vector<16xi32>
        %sign3A = arith.constant 0 : i32
        %sign3A_148 = vector.broadcast %sign3A : i32 to vector<16xi32>
        %sign3A_149 = arith.cmpi sgt, %get3A_144, %sign3A_148 : vector<16xi32>
        %sign3A_150 = arith.extui %sign3A_149 : vector<16xi1> to vector<16xi32>
        %sign3A_151 = arith.constant 0 : i32
        %sign3A_152 = vector.broadcast %sign3A_151 : i32 to vector<16xi32>
        %sign3A_153 = arith.cmpi slt, %get3A_144, %sign3A_152 : vector<16xi32>
        %sign3A_154 = arith.extui %sign3A_153 : vector<16xi1> to vector<16xi32>
        %sign3A_155 = arith.subi %sign3A_150, %sign3A_154 : vector<16xi32>
        %sign3A_156 = arith.constant 0 : i32
        %sign3A_157 = arith.cmpi sgt, %jit3A, %sign3A_156 : i32
        %sign3A_158 = arith.extui %sign3A_157 : i1 to i32
        %sign3A_159 = arith.constant 0 : i32
        %sign3A_160 = arith.cmpi slt, %jit3A, %sign3A_159 : i32
        %sign3A_161 = arith.extui %sign3A_160 : i1 to i32
        %sign3A_162 = arith.subi %sign3A_158, %sign3A_161 : i32
        %ne3A = vector.broadcast %sign3A_162 : i32 to vector<16xi32>
        %ne3A_163 = arith.cmpi ne, %sign3A_155, %ne3A : vector<16xi32>
        %rem3A = vector.broadcast %jit3A : i32 to vector<16xi32>
        %rem3A_164 = arith.remsi %get3A_144, %rem3A : vector<16xi32>
        %ne3A_165 = arith.constant 0 : i32
        %ne3A_166 = vector.broadcast %ne3A_165 : i32 to vector<16xi32>
        %ne3A_167 = arith.cmpi ne, %rem3A_164, %ne3A_166 : vector<16xi32>
        %and3A = arith.andi %ne3A_163, %ne3A_167 : vector<16xi1>
        %sub3A = arith.constant 1 : i32
        %sub3A_168 = vector.broadcast %sub3A : i32 to vector<16xi32>
        %sub3A_169 = arith.subi %div3A_147, %sub3A_168 : vector<16xi32>
        %select_n3A = arith.select %and3A, %sub3A_169, %div3A_147 : vector<16xi1>, vector<16xi32>
        %jit3A_170 = arith.constant 128 : i32
        %eq3A = arith.constant 0 : i32
        %eq3A_171 = arith.cmpi eq, %jit3A_170, %eq3A : i32
        %jit3A_172 = arith.constant 1 : i32
        %select_n3A_173 = arith.select %eq3A_171, %jit3A_172, %jit3A_170 : i32
        %rem3A_174 = vector.broadcast %select_n3A_173 : i32 to vector<16xi32>
        %rem3A_175 = arith.remsi %get3A_144, %rem3A_174 : vector<16xi32>
        %ne3A_176 = arith.constant 0 : i32
        %ne3A_177 = vector.broadcast %ne3A_176 : i32 to vector<16xi32>
        %ne3A_178 = arith.cmpi ne, %rem3A_175, %ne3A_177 : vector<16xi32>
        %lt3A_179 = arith.constant 0 : i32
        %lt3A_180 = vector.broadcast %lt3A_179 : i32 to vector<16xi32>
        %lt3A_181 = arith.cmpi slt, %rem3A_175, %lt3A_180 : vector<16xi32>
        %lt3A_182 = arith.constant 0 : i32
        %lt3A_183 = arith.cmpi slt, %select_n3A_173, %lt3A_182 : i32
        %ne3A_184 = vector.broadcast %lt3A_183 : i1 to vector<16xi1>
        %ne3A_185 = vector.broadcast %ne3A_184 : vector<16xi1> to vector<16xi1>
        %ne3A_186 = arith.xori %lt3A_181, %ne3A_185 : vector<16xi1>
        %and3A_187 = arith.andi %ne3A_186, %ne3A_178 : vector<16xi1>
        %add3A_188 = vector.broadcast %select_n3A_173 : i32 to vector<16xi32>
        %add3A_189 = arith.addi %rem3A_175, %add3A_188 : vector<16xi32>
        %select_n3A_190 = arith.select %and3A_187, %add3A_189, %rem3A_175 : vector<16xi1>, vector<16xi32>
        tpu.vector_store_idx %arg15[%select_n3A, %select_n3A_190], %broadcast_in_dim3A_3 {add = true} : memref<80x128xf32, #tpu.memory_space<vmem>>[vector<16xi32>, vector<16xi32>], vector<16xf32>,
        %get3A_191 = arith.constant 16 : index
        %get3A_192 = tpu.vector_load %arg12[%get3A_191] {strides = array<i32>} : memref<128xi32, #tpu.memory_space<vmem>>, vector<16xi32>,
        %swap3A_193 = arith.constant 16 : index
        %swap3A_194 = tpu.vector_load %arg14[%swap3A_193] {strides = array<i32>} : memref<128xi32, #tpu.memory_space<vmem>>, vector<16xi32>,
        tpu.vector_store %arg14[%swap3A_193], %get3A_192 {strides = array<i32>} : memref<128xi32, #tpu.memory_space<vmem>>, vector<16xi32>,
        %jit3A_195 = arith.constant 128 : i32
        %div3A_196 = vector.broadcast %jit3A_195 : i32 to vector<16xi32>
        %div3A_197 = arith.divsi %get3A_192, %div3A_196 : vector<16xi32>
        %sign3A_198 = arith.constant 0 : i32
        %sign3A_199 = vector.broadcast %sign3A_198 : i32 to vector<16xi32>
        %sign3A_200 = arith.cmpi sgt, %get3A_192, %sign3A_199 : vector<16xi32>
        %sign3A_201 = arith.extui %sign3A_200 : vector<16xi1> to vector<16xi32>
        %sign3A_202 = arith.constant 0 : i32
        %sign3A_203 = vector.broadcast %sign3A_202 : i32 to vector<16xi32>
        %sign3A_204 = arith.cmpi slt, %get3A_192, %sign3A_203 : vector<16xi32>
        %sign3A_205 = arith.extui %sign3A_204 : vector<16xi1> to vector<16xi32>
        %sign3A_206 = arith.subi %sign3A_201, %sign3A_205 : vector<16xi32>
        %sign3A_207 = arith.constant 0 : i32
        %sign3A_208 = arith.cmpi sgt, %jit3A_195, %sign3A_207 : i32
        %sign3A_209 = arith.extui %sign3A_208 : i1 to i32
        %sign3A_210 = arith.constant 0 : i32
        %sign3A_211 = arith.cmpi slt, %jit3A_195, %sign3A_210 : i32
        %sign3A_212 = arith.extui %sign3A_211 : i1 to i32
        %sign3A_213 = arith.subi %sign3A_209, %sign3A_212 : i32
        %ne3A_214 = vector.broadcast %sign3A_213 : i32 to vector<16xi32>
        %ne3A_215 = arith.cmpi ne, %sign3A_206, %ne3A_214 : vector<16xi32>
        %rem3A_216 = vector.broadcast %jit3A_195 : i32 to vector<16xi32>
        %rem3A_217 = arith.remsi %get3A_192, %rem3A_216 : vector<16xi32>
        %ne3A_218 = arith.constant 0 : i32
        %ne3A_219 = vector.broadcast %ne3A_218 : i32 to vector<16xi32>
        %ne3A_220 = arith.cmpi ne, %rem3A_217, %ne3A_219 : vector<16xi32>
        %and3A_221 = arith.andi %ne3A_215, %ne3A_220 : vector<16xi1>
        %sub3A_222 = arith.constant 1 : i32
        %sub3A_223 = vector.broadcast %sub3A_222 : i32 to vector<16xi32>
        %sub3A_224 = arith.subi %div3A_197, %sub3A_223 : vector<16xi32>
        %select_n3A_225 = arith.select %and3A_221, %sub3A_224, %div3A_197 : vector<16xi1>, vector<16xi32>
        %jit3A_226 = arith.constant 128 : i32
        %eq3A_227 = arith.constant 0 : i32
        %eq3A_228 = arith.cmpi eq, %jit3A_226, %eq3A_227 : i32
        %jit3A_229 = arith.constant 1 : i32
        %select_n3A_230 = arith.select %eq3A_228, %jit3A_229, %jit3A_226 : i32
        %rem3A_231 = vector.broadcast %select_n3A_230 : i32 to vector<16xi32>
        %rem3A_232 = arith.remsi %get3A_192, %rem3A_231 : vector<16xi32>
        %ne3A_233 = arith.constant 0 : i32
        %ne3A_234 = vector.broadcast %ne3A_233 : i32 to vector<16xi32>
        %ne3A_235 = arith.cmpi ne, %rem3A_232, %ne3A_234 : vector<16xi32>
        %lt3A_236 = arith.constant 0 : i32
        %lt3A_237 = vector.broadcast %lt3A_236 : i32 to vector<16xi32>
        %lt3A_238 = arith.cmpi slt, %rem3A_232, %lt3A_237 : vector<16xi32>
        %lt3A_239 = arith.constant 0 : i32
        %lt3A_240 = arith.cmpi slt, %select_n3A_230, %lt3A_239 : i32
        %ne3A_241 = vector.broadcast %lt3A_240 : i1 to vector<16xi1>
        %ne3A_242 = vector.broadcast %ne3A_241 : vector<16xi1> to vector<16xi1>
        %ne3A_243 = arith.xori %lt3A_238, %ne3A_242 : vector<16xi1>
        %and3A_244 = arith.andi %ne3A_243, %ne3A_235 : vector<16xi1>
        %add3A_245 = vector.broadcast %select_n3A_230 : i32 to vector<16xi32>
        %add3A_246 = arith.addi %rem3A_232, %add3A_245 : vector<16xi32>
        %select_n3A_247 = arith.select %and3A_244, %add3A_246, %rem3A_232 : vector<16xi1>, vector<16xi32>
        tpu.vector_store_idx %arg15[%select_n3A_225, %select_n3A_247], %broadcast_in_dim3A_3 {add = true} : memref<80x128xf32, #tpu.memory_space<vmem>>[vector<16xi32>, vector<16xi32>], vector<16xf32>,
        %get3A_248 = arith.constant 32 : index
        %get3A_249 = tpu.vector_load %arg12[%get3A_248] {strides = array<i32>} : memref<128xi32, #tpu.memory_space<vmem>>, vector<16xi32>,
        %swap3A_250 = arith.constant 32 : index
        %swap3A_251 = tpu.vector_load %arg14[%swap3A_250] {strides = array<i32>} : memref<128xi32, #tpu.memory_space<vmem>>, vector<16xi32>,
        tpu.vector_store %arg14[%swap3A_250], %get3A_249 {strides = array<i32>} : memref<128xi32, #tpu.memory_space<vmem>>, vector<16xi32>,
        %jit3A_252 = arith.constant 128 : i32
        %div3A_253 = vector.broadcast %jit3A_252 : i32 to vector<16xi32>
        %div3A_254 = arith.divsi %get3A_249, %div3A_253 : vector<16xi32>
        %sign3A_255 = arith.constant 0 : i32
        %sign3A_256 = vector.broadcast %sign3A_255 : i32 to vector<16xi32>
        %sign3A_257 = arith.cmpi sgt, %get3A_249, %sign3A_256 : vector<16xi32>
        %sign3A_258 = arith.extui %sign3A_257 : vector<16xi1> to vector<16xi32>
        %sign3A_259 = arith.constant 0 : i32
        %sign3A_260 = vector.broadcast %sign3A_259 : i32 to vector<16xi32>
        %sign3A_261 = arith.cmpi slt, %get3A_249, %sign3A_260 : vector<16xi32>
        %sign3A_262 = arith.extui %sign3A_261 : vector<16xi1> to vector<16xi32>
        %sign3A_263 = arith.subi %sign3A_258, %sign3A_262 : vector<16xi32>
        %sign3A_264 = arith.constant 0 : i32
        %sign3A_265 = arith.cmpi sgt, %jit3A_252, %sign3A_264 : i32
        %sign3A_266 = arith.extui %sign3A_265 : i1 to i32
        %sign3A_267 = arith.constant 0 : i32
        %sign3A_268 = arith.cmpi slt, %jit3A_252, %sign3A_267 : i32
        %sign3A_269 = arith.extui %sign3A_268 : i1 to i32
        %sign3A_270 = arith.subi %sign3A_266, %sign3A_269 : i32
        %ne3A_271 = vector.broadcast %sign3A_270 : i32 to vector<16xi32>
        %ne3A_272 = arith.cmpi ne, %sign3A_263, %ne3A_271 : vector<16xi32>
        %rem3A_273 = vector.broadcast %jit3A_252 : i32 to vector<16xi32>
        %rem3A_274 = arith.remsi %get3A_249, %rem3A_273 : vector<16xi32>
        %ne3A_275 = arith.constant 0 : i32
        %ne3A_276 = vector.broadcast %ne3A_275 : i32 to vector<16xi32>
        %ne3A_277 = arith.cmpi ne, %rem3A_274, %ne3A_276 : vector<16xi32>
        %and3A_278 = arith.andi %ne3A_272, %ne3A_277 : vector<16xi1>
        %sub3A_279 = arith.constant 1 : i32
        %sub3A_280 = vector.broadcast %sub3A_279 : i32 to vector<16xi32>
        %sub3A_281 = arith.subi %div3A_254, %sub3A_280 : vector<16xi32>
        %select_n3A_282 = arith.select %and3A_278, %sub3A_281, %div3A_254 : vector<16xi1>, vector<16xi32>
        %jit3A_283 = arith.constant 128 : i32
        %eq3A_284 = arith.constant 0 : i32
        %eq3A_285 = arith.cmpi eq, %jit3A_283, %eq3A_284 : i32
        %jit3A_286 = arith.constant 1 : i32
        %select_n3A_287 = arith.select %eq3A_285, %jit3A_286, %jit3A_283 : i32
        %rem3A_288 = vector.broadcast %select_n3A_287 : i32 to vector<16xi32>
        %rem3A_289 = arith.remsi %get3A_249, %rem3A_288 : vector<16xi32>
        %ne3A_290 = arith.constant 0 : i32
        %ne3A_291 = vector.broadcast %ne3A_290 : i32 to vector<16xi32>
        %ne3A_292 = arith.cmpi ne, %rem3A_289, %ne3A_291 : vector<16xi32>
        %lt3A_293 = arith.constant 0 : i32
        %lt3A_294 = vector.broadcast %lt3A_293 : i32 to vector<16xi32>
        %lt3A_295 = arith.cmpi slt, %rem3A_289, %lt3A_294 : vector<16xi32>
        %lt3A_296 = arith.constant 0 : i32
        %lt3A_297 = arith.cmpi slt, %select_n3A_287, %lt3A_296 : i32
        %ne3A_298 = vector.broadcast %lt3A_297 : i1 to vector<16xi1>
        %ne3A_299 = vector.broadcast %ne3A_298 : vector<16xi1> to vector<16xi1>
        %ne3A_300 = arith.xori %lt3A_295, %ne3A_299 : vector<16xi1>
        %and3A_301 = arith.andi %ne3A_300, %ne3A_292 : vector<16xi1>
        %add3A_302 = vector.broadcast %select_n3A_287 : i32 to vector<16xi32>
        %add3A_303 = arith.addi %rem3A_289, %add3A_302 : vector<16xi32>
        %select_n3A_304 = arith.select %and3A_301, %add3A_303, %rem3A_289 : vector<16xi1>, vector<16xi32>
        tpu.vector_store_idx %arg15[%select_n3A_282, %select_n3A_304], %broadcast_in_dim3A_3 {add = true} : memref<80x128xf32, #tpu.memory_space<vmem>>[vector<16xi32>, vector<16xi32>], vector<16xf32>,
        %get3A_305 = arith.constant 48 : index
        %get3A_306 = tpu.vector_load %arg12[%get3A_305] {strides = array<i32>} : memref<128xi32, #tpu.memory_space<vmem>>, vector<16xi32>,
        %swap3A_307 = arith.constant 48 : index
        %swap3A_308 = tpu.vector_load %arg14[%swap3A_307] {strides = array<i32>} : memref<128xi32, #tpu.memory_space<vmem>>, vector<16xi32>,
        tpu.vector_store %arg14[%swap3A_307], %get3A_306 {strides = array<i32>} : memref<128xi32, #tpu.memory_space<vmem>>, vector<16xi32>,
        %jit3A_309 = arith.constant 128 : i32
        %div3A_310 = vector.broadcast %jit3A_309 : i32 to vector<16xi32>
        %div3A_311 = arith.divsi %get3A_306, %div3A_310 : vector<16xi32>
        %sign3A_312 = arith.constant 0 : i32
        %sign3A_313 = vector.broadcast %sign3A_312 : i32 to vector<16xi32>
        %sign3A_314 = arith.cmpi sgt, %get3A_306, %sign3A_313 : vector<16xi32>
        %sign3A_315 = arith.extui %sign3A_314 : vector<16xi1> to vector<16xi32>
        %sign3A_316 = arith.constant 0 : i32
        %sign3A_317 = vector.broadcast %sign3A_316 : i32 to vector<16xi32>
        %sign3A_318 = arith.cmpi slt, %get3A_306, %sign3A_317 : vector<16xi32>
        %sign3A_319 = arith.extui %sign3A_318 : vector<16xi1> to vector<16xi32>
        %sign3A_320 = arith.subi %sign3A_315, %sign3A_319 : vector<16xi32>
        %sign3A_321 = arith.constant 0 : i32
        %sign3A_322 = arith.cmpi sgt, %jit3A_309, %sign3A_321 : i32
        %sign3A_323 = arith.extui %sign3A_322 : i1 to i32
        %sign3A_324 = arith.constant 0 : i32
        %sign3A_325 = arith.cmpi slt, %jit3A_309, %sign3A_324 : i32
        %sign3A_326 = arith.extui %sign3A_325 : i1 to i32
        %sign3A_327 = arith.subi %sign3A_323, %sign3A_326 : i32
        %ne3A_328 = vector.broadcast %sign3A_327 : i32 to vector<16xi32>
        %ne3A_329 = arith.cmpi ne, %sign3A_320, %ne3A_328 : vector<16xi32>
        %rem3A_330 = vector.broadcast %jit3A_309 : i32 to vector<16xi32>
        %rem3A_331 = arith.remsi %get3A_306, %rem3A_330 : vector<16xi32>
        %ne3A_332 = arith.constant 0 : i32
        %ne3A_333 = vector.broadcast %ne3A_332 : i32 to vector<16xi32>
        %ne3A_334 = arith.cmpi ne, %rem3A_331, %ne3A_333 : vector<16xi32>
        %and3A_335 = arith.andi %ne3A_329, %ne3A_334 : vector<16xi1>
        %sub3A_336 = arith.constant 1 : i32
        %sub3A_337 = vector.broadcast %sub3A_336 : i32 to vector<16xi32>
        %sub3A_338 = arith.subi %div3A_311, %sub3A_337 : vector<16xi32>
        %select_n3A_339 = arith.select %and3A_335, %sub3A_338, %div3A_311 : vector<16xi1>, vector<16xi32>
        %jit3A_340 = arith.constant 128 : i32
        %eq3A_341 = arith.constant 0 : i32
        %eq3A_342 = arith.cmpi eq, %jit3A_340, %eq3A_341 : i32
        %jit3A_343 = arith.constant 1 : i32
        %select_n3A_344 = arith.select %eq3A_342, %jit3A_343, %jit3A_340 : i32
        %rem3A_345 = vector.broadcast %select_n3A_344 : i32 to vector<16xi32>
        %rem3A_346 = arith.remsi %get3A_306, %rem3A_345 : vector<16xi32>
        %ne3A_347 = arith.constant 0 : i32
        %ne3A_348 = vector.broadcast %ne3A_347 : i32 to vector<16xi32>
        %ne3A_349 = arith.cmpi ne, %rem3A_346, %ne3A_348 : vector<16xi32>
        %lt3A_350 = arith.constant 0 : i32
        %lt3A_351 = vector.broadcast %lt3A_350 : i32 to vector<16xi32>
        %lt3A_352 = arith.cmpi slt, %rem3A_346, %lt3A_351 : vector<16xi32>
        %lt3A_353 = arith.constant 0 : i32
        %lt3A_354 = arith.cmpi slt, %select_n3A_344, %lt3A_353 : i32
        %ne3A_355 = vector.broadcast %lt3A_354 : i1 to vector<16xi1>
        %ne3A_356 = vector.broadcast %ne3A_355 : vector<16xi1> to vector<16xi1>
        %ne3A_357 = arith.xori %lt3A_352, %ne3A_356 : vector<16xi1>
        %and3A_358 = arith.andi %ne3A_357, %ne3A_349 : vector<16xi1>
        %add3A_359 = vector.broadcast %select_n3A_344 : i32 to vector<16xi32>
        %add3A_360 = arith.addi %rem3A_346, %add3A_359 : vector<16xi32>
        %select_n3A_361 = arith.select %and3A_358, %add3A_360, %rem3A_346 : vector<16xi1>, vector<16xi32>
        tpu.vector_store_idx %arg15[%select_n3A_339, %select_n3A_361], %broadcast_in_dim3A_3 {add = true} : memref<80x128xf32, #tpu.memory_space<vmem>>[vector<16xi32>, vector<16xi32>], vector<16xf32>,
        %get3A_362 = arith.constant 64 : index
        %get3A_363 = tpu.vector_load %arg12[%get3A_362] {strides = array<i32>} : memref<128xi32, #tpu.memory_space<vmem>>, vector<16xi32>,
        %swap3A_364 = arith.constant 64 : index
        %swap3A_365 = tpu.vector_load %arg14[%swap3A_364] {strides = array<i32>} : memref<128xi32, #tpu.memory_space<vmem>>, vector<16xi32>,
        tpu.vector_store %arg14[%swap3A_364], %get3A_363 {strides = array<i32>} : memref<128xi32, #tpu.memory_space<vmem>>, vector<16xi32>,
        %jit3A_366 = arith.constant 128 : i32
        %div3A_367 = vector.broadcast %jit3A_366 : i32 to vector<16xi32>
        %div3A_368 = arith.divsi %get3A_363, %div3A_367 : vector<16xi32>
        %sign3A_369 = arith.constant 0 : i32
        %sign3A_370 = vector.broadcast %sign3A_369 : i32 to vector<16xi32>
        %sign3A_371 = arith.cmpi sgt, %get3A_363, %sign3A_370 : vector<16xi32>
        %sign3A_372 = arith.extui %sign3A_371 : vector<16xi1> to vector<16xi32>
        %sign3A_373 = arith.constant 0 : i32
        %sign3A_374 = vector.broadcast %sign3A_373 : i32 to vector<16xi32>
        %sign3A_375 = arith.cmpi slt, %get3A_363, %sign3A_374 : vector<16xi32>
        %sign3A_376 = arith.extui %sign3A_375 : vector<16xi1> to vector<16xi32>
        %sign3A_377 = arith.subi %sign3A_372, %sign3A_376 : vector<16xi32>
        %sign3A_378 = arith.constant 0 : i32
        %sign3A_379 = arith.cmpi sgt, %jit3A_366, %sign3A_378 : i32
        %sign3A_380 = arith.extui %sign3A_379 : i1 to i32
        %sign3A_381 = arith.constant 0 : i32
        %sign3A_382 = arith.cmpi slt, %jit3A_366, %sign3A_381 : i32
        %sign3A_383 = arith.extui %sign3A_382 : i1 to i32
        %sign3A_384 = arith.subi %sign3A_380, %sign3A_383 : i32
        %ne3A_385 = vector.broadcast %sign3A_384 : i32 to vector<16xi32>
        %ne3A_386 = arith.cmpi ne, %sign3A_377, %ne3A_385 : vector<16xi32>
        %rem3A_387 = vector.broadcast %jit3A_366 : i32 to vector<16xi32>
        %rem3A_388 = arith.remsi %get3A_363, %rem3A_387 : vector<16xi32>
        %ne3A_389 = arith.constant 0 : i32
        %ne3A_390 = vector.broadcast %ne3A_389 : i32 to vector<16xi32>
        %ne3A_391 = arith.cmpi ne, %rem3A_388, %ne3A_390 : vector<16xi32>
        %and3A_392 = arith.andi %ne3A_386, %ne3A_391 : vector<16xi1>
        %sub3A_393 = arith.constant 1 : i32
        %sub3A_394 = vector.broadcast %sub3A_393 : i32 to vector<16xi32>
        %sub3A_395 = arith.subi %div3A_368, %sub3A_394 : vector<16xi32>
        %select_n3A_396 = arith.select %and3A_392, %sub3A_395, %div3A_368 : vector<16xi1>, vector<16xi32>
        %jit3A_397 = arith.constant 128 : i32
        %eq3A_398 = arith.constant 0 : i32
        %eq3A_399 = arith.cmpi eq, %jit3A_397, %eq3A_398 : i32
        %jit3A_400 = arith.constant 1 : i32
        %select_n3A_401 = arith.select %eq3A_399, %jit3A_400, %jit3A_397 : i32
        %rem3A_402 = vector.broadcast %select_n3A_401 : i32 to vector<16xi32>
        %rem3A_403 = arith.remsi %get3A_363, %rem3A_402 : vector<16xi32>
        %ne3A_404 = arith.constant 0 : i32
        %ne3A_405 = vector.broadcast %ne3A_404 : i32 to vector<16xi32>
        %ne3A_406 = arith.cmpi ne, %rem3A_403, %ne3A_405 : vector<16xi32>
        %lt3A_407 = arith.constant 0 : i32
        %lt3A_408 = vector.broadcast %lt3A_407 : i32 to vector<16xi32>
        %lt3A_409 = arith.cmpi slt, %rem3A_403, %lt3A_408 : vector<16xi32>
        %lt3A_410 = arith.constant 0 : i32
        %lt3A_411 = arith.cmpi slt, %select_n3A_401, %lt3A_410 : i32
        %ne3A_412 = vector.broadcast %lt3A_411 : i1 to vector<16xi1>
        %ne3A_413 = vector.broadcast %ne3A_412 : vector<16xi1> to vector<16xi1>
        %ne3A_414 = arith.xori %lt3A_409, %ne3A_413 : vector<16xi1>
        %and3A_415 = arith.andi %ne3A_414, %ne3A_406 : vector<16xi1>
        %add3A_416 = vector.broadcast %select_n3A_401 : i32 to vector<16xi32>
        %add3A_417 = arith.addi %rem3A_403, %add3A_416 : vector<16xi32>
        %select_n3A_418 = arith.select %and3A_415, %add3A_417, %rem3A_403 : vector<16xi1>, vector<16xi32>
        tpu.vector_store_idx %arg15[%select_n3A_396, %select_n3A_418], %broadcast_in_dim3A_3 {add = true} : memref<80x128xf32, #tpu.memory_space<vmem>>[vector<16xi32>, vector<16xi32>], vector<16xf32>,
        %get3A_419 = arith.constant 80 : index
        %get3A_420 = tpu.vector_load %arg12[%get3A_419] {strides = array<i32>} : memref<128xi32, #tpu.memory_space<vmem>>, vector<16xi32>,
        %swap3A_421 = arith.constant 80 : index
        %swap3A_422 = tpu.vector_load %arg14[%swap3A_421] {strides = array<i32>} : memref<128xi32, #tpu.memory_space<vmem>>, vector<16xi32>,
        tpu.vector_store %arg14[%swap3A_421], %get3A_420 {strides = array<i32>} : memref<128xi32, #tpu.memory_space<vmem>>, vector<16xi32>,
        %jit3A_423 = arith.constant 128 : i32
        %div3A_424 = vector.broadcast %jit3A_423 : i32 to vector<16xi32>
        %div3A_425 = arith.divsi %get3A_420, %div3A_424 : vector<16xi32>
        %sign3A_426 = arith.constant 0 : i32
        %sign3A_427 = vector.broadcast %sign3A_426 : i32 to vector<16xi32>
        %sign3A_428 = arith.cmpi sgt, %get3A_420, %sign3A_427 : vector<16xi32>
        %sign3A_429 = arith.extui %sign3A_428 : vector<16xi1> to vector<16xi32>
        %sign3A_430 = arith.constant 0 : i32
        %sign3A_431 = vector.broadcast %sign3A_430 : i32 to vector<16xi32>
        %sign3A_432 = arith.cmpi slt, %get3A_420, %sign3A_431 : vector<16xi32>
        %sign3A_433 = arith.extui %sign3A_432 : vector<16xi1> to vector<16xi32>
        %sign3A_434 = arith.subi %sign3A_429, %sign3A_433 : vector<16xi32>
        %sign3A_435 = arith.constant 0 : i32
        %sign3A_436 = arith.cmpi sgt, %jit3A_423, %sign3A_435 : i32
        %sign3A_437 = arith.extui %sign3A_436 : i1 to i32
        %sign3A_438 = arith.constant 0 : i32
        %sign3A_439 = arith.cmpi slt, %jit3A_423, %sign3A_438 : i32
        %sign3A_440 = arith.extui %sign3A_439 : i1 to i32
        %sign3A_441 = arith.subi %sign3A_437, %sign3A_440 : i32
        %ne3A_442 = vector.broadcast %sign3A_441 : i32 to vector<16xi32>
        %ne3A_443 = arith.cmpi ne, %sign3A_434, %ne3A_442 : vector<16xi32>
        %rem3A_444 = vector.broadcast %jit3A_423 : i32 to vector<16xi32>
        %rem3A_445 = arith.remsi %get3A_420, %rem3A_444 : vector<16xi32>
        %ne3A_446 = arith.constant 0 : i32
        %ne3A_447 = vector.broadcast %ne3A_446 : i32 to vector<16xi32>
        %ne3A_448 = arith.cmpi ne, %rem3A_445, %ne3A_447 : vector<16xi32>
        %and3A_449 = arith.andi %ne3A_443, %ne3A_448 : vector<16xi1>
        %sub3A_450 = arith.constant 1 : i32
        %sub3A_451 = vector.broadcast %sub3A_450 : i32 to vector<16xi32>
        %sub3A_452 = arith.subi %div3A_425, %sub3A_451 : vector<16xi32>
        %select_n3A_453 = arith.select %and3A_449, %sub3A_452, %div3A_425 : vector<16xi1>, vector<16xi32>
        %jit3A_454 = arith.constant 128 : i32
        %eq3A_455 = arith.constant 0 : i32
        %eq3A_456 = arith.cmpi eq, %jit3A_454, %eq3A_455 : i32
        %jit3A_457 = arith.constant 1 : i32
        %select_n3A_458 = arith.select %eq3A_456, %jit3A_457, %jit3A_454 : i32
        %rem3A_459 = vector.broadcast %select_n3A_458 : i32 to vector<16xi32>
        %rem3A_460 = arith.remsi %get3A_420, %rem3A_459 : vector<16xi32>
        %ne3A_461 = arith.constant 0 : i32
        %ne3A_462 = vector.broadcast %ne3A_461 : i32 to vector<16xi32>
        %ne3A_463 = arith.cmpi ne, %rem3A_460, %ne3A_462 : vector<16xi32>
        %lt3A_464 = arith.constant 0 : i32
        %lt3A_465 = vector.broadcast %lt3A_464 : i32 to vector<16xi32>
        %lt3A_466 = arith.cmpi slt, %rem3A_460, %lt3A_465 : vector<16xi32>
        %lt3A_467 = arith.constant 0 : i32
        %lt3A_468 = arith.cmpi slt, %select_n3A_458, %lt3A_467 : i32
        %ne3A_469 = vector.broadcast %lt3A_468 : i1 to vector<16xi1>
        %ne3A_470 = vector.broadcast %ne3A_469 : vector<16xi1> to vector<16xi1>
        %ne3A_471 = arith.xori %lt3A_466, %ne3A_470 : vector<16xi1>
        %and3A_472 = arith.andi %ne3A_471, %ne3A_463 : vector<16xi1>
        %add3A_473 = vector.broadcast %select_n3A_458 : i32 to vector<16xi32>
        %add3A_474 = arith.addi %rem3A_460, %add3A_473 : vector<16xi32>
        %select_n3A_475 = arith.select %and3A_472, %add3A_474, %rem3A_460 : vector<16xi1>, vector<16xi32>
        tpu.vector_store_idx %arg15[%select_n3A_453, %select_n3A_475], %broadcast_in_dim3A_3 {add = true} : memref<80x128xf32, #tpu.memory_space<vmem>>[vector<16xi32>, vector<16xi32>], vector<16xf32>,
        %get3A_476 = arith.constant 96 : index
        %get3A_477 = tpu.vector_load %arg12[%get3A_476] {strides = array<i32>} : memref<128xi32, #tpu.memory_space<vmem>>, vector<16xi32>,
        %swap3A_478 = arith.constant 96 : index
        %swap3A_479 = tpu.vector_load %arg14[%swap3A_478] {strides = array<i32>} : memref<128xi32, #tpu.memory_space<vmem>>, vector<16xi32>,
        tpu.vector_store %arg14[%swap3A_478], %get3A_477 {strides = array<i32>} : memref<128xi32, #tpu.memory_space<vmem>>, vector<16xi32>,
        %jit3A_480 = arith.constant 128 : i32
        %div3A_481 = vector.broadcast %jit3A_480 : i32 to vector<16xi32>
        %div3A_482 = arith.divsi %get3A_477, %div3A_481 : vector<16xi32>
        %sign3A_483 = arith.constant 0 : i32
        %sign3A_484 = vector.broadcast %sign3A_483 : i32 to vector<16xi32>
        %sign3A_485 = arith.cmpi sgt, %get3A_477, %sign3A_484 : vector<16xi32>
        %sign3A_486 = arith.extui %sign3A_485 : vector<16xi1> to vector<16xi32>
        %sign3A_487 = arith.constant 0 : i32
        %sign3A_488 = vector.broadcast %sign3A_487 : i32 to vector<16xi32>
        %sign3A_489 = arith.cmpi slt, %get3A_477, %sign3A_488 : vector<16xi32>
        %sign3A_490 = arith.extui %sign3A_489 : vector<16xi1> to vector<16xi32>
        %sign3A_491 = arith.subi %sign3A_486, %sign3A_490 : vector<16xi32>
        %sign3A_492 = arith.constant 0 : i32
        %sign3A_493 = arith.cmpi sgt, %jit3A_480, %sign3A_492 : i32
        %sign3A_494 = arith.extui %sign3A_493 : i1 to i32
        %sign3A_495 = arith.constant 0 : i32
        %sign3A_496 = arith.cmpi slt, %jit3A_480, %sign3A_495 : i32
        %sign3A_497 = arith.extui %sign3A_496 : i1 to i32
        %sign3A_498 = arith.subi %sign3A_494, %sign3A_497 : i32
        %ne3A_499 = vector.broadcast %sign3A_498 : i32 to vector<16xi32>
        %ne3A_500 = arith.cmpi ne, %sign3A_491, %ne3A_499 : vector<16xi32>
        %rem3A_501 = vector.broadcast %jit3A_480 : i32 to vector<16xi32>
        %rem3A_502 = arith.remsi %get3A_477, %rem3A_501 : vector<16xi32>
        %ne3A_503 = arith.constant 0 : i32
        %ne3A_504 = vector.broadcast %ne3A_503 : i32 to vector<16xi32>
        %ne3A_505 = arith.cmpi ne, %rem3A_502, %ne3A_504 : vector<16xi32>
        %and3A_506 = arith.andi %ne3A_500, %ne3A_505 : vector<16xi1>
        %sub3A_507 = arith.constant 1 : i32
        %sub3A_508 = vector.broadcast %sub3A_507 : i32 to vector<16xi32>
        %sub3A_509 = arith.subi %div3A_482, %sub3A_508 : vector<16xi32>
        %select_n3A_510 = arith.select %and3A_506, %sub3A_509, %div3A_482 : vector<16xi1>, vector<16xi32>
        %jit3A_511 = arith.constant 128 : i32
        %eq3A_512 = arith.constant 0 : i32
        %eq3A_513 = arith.cmpi eq, %jit3A_511, %eq3A_512 : i32
        %jit3A_514 = arith.constant 1 : i32
        %select_n3A_515 = arith.select %eq3A_513, %jit3A_514, %jit3A_511 : i32
        %rem3A_516 = vector.broadcast %select_n3A_515 : i32 to vector<16xi32>
        %rem3A_517 = arith.remsi %get3A_477, %rem3A_516 : vector<16xi32>
        %ne3A_518 = arith.constant 0 : i32
        %ne3A_519 = vector.broadcast %ne3A_518 : i32 to vector<16xi32>
        %ne3A_520 = arith.cmpi ne, %rem3A_517, %ne3A_519 : vector<16xi32>
        %lt3A_521 = arith.constant 0 : i32
        %lt3A_522 = vector.broadcast %lt3A_521 : i32 to vector<16xi32>
        %lt3A_523 = arith.cmpi slt, %rem3A_517, %lt3A_522 : vector<16xi32>
        %lt3A_524 = arith.constant 0 : i32
        %lt3A_525 = arith.cmpi slt, %select_n3A_515, %lt3A_524 : i32
        %ne3A_526 = vector.broadcast %lt3A_525 : i1 to vector<16xi1>
        %ne3A_527 = vector.broadcast %ne3A_526 : vector<16xi1> to vector<16xi1>
        %ne3A_528 = arith.xori %lt3A_523, %ne3A_527 : vector<16xi1>
        %and3A_529 = arith.andi %ne3A_528, %ne3A_520 : vector<16xi1>
        %add3A_530 = vector.broadcast %select_n3A_515 : i32 to vector<16xi32>
        %add3A_531 = arith.addi %rem3A_517, %add3A_530 : vector<16xi32>
        %select_n3A_532 = arith.select %and3A_529, %add3A_531, %rem3A_517 : vector<16xi1>, vector<16xi32>
        tpu.vector_store_idx %arg15[%select_n3A_510, %select_n3A_532], %broadcast_in_dim3A_3 {add = true} : memref<80x128xf32, #tpu.memory_space<vmem>>[vector<16xi32>, vector<16xi32>], vector<16xf32>,
        %get3A_533 = arith.constant 112 : index
        %get3A_534 = tpu.vector_load %arg12[%get3A_533] {strides = array<i32>} : memref<128xi32, #tpu.memory_space<vmem>>, vector<16xi32>,
        %swap3A_535 = arith.constant 112 : index
        %swap3A_536 = tpu.vector_load %arg14[%swap3A_535] {strides = array<i32>} : memref<128xi32, #tpu.memory_space<vmem>>, vector<16xi32>,
        tpu.vector_store %arg14[%swap3A_535], %get3A_534 {strides = array<i32>} : memref<128xi32, #tpu.memory_space<vmem>>, vector<16xi32>,
        %jit3A_537 = arith.constant 128 : i32
        %div3A_538 = vector.broadcast %jit3A_537 : i32 to vector<16xi32>
        %div3A_539 = arith.divsi %get3A_534, %div3A_538 : vector<16xi32>
        %sign3A_540 = arith.constant 0 : i32
        %sign3A_541 = vector.broadcast %sign3A_540 : i32 to vector<16xi32>
        %sign3A_542 = arith.cmpi sgt, %get3A_534, %sign3A_541 : vector<16xi32>
        %sign3A_543 = arith.extui %sign3A_542 : vector<16xi1> to vector<16xi32>
        %sign3A_544 = arith.constant 0 : i32
        %sign3A_545 = vector.broadcast %sign3A_544 : i32 to vector<16xi32>
        %sign3A_546 = arith.cmpi slt, %get3A_534, %sign3A_545 : vector<16xi32>
        %sign3A_547 = arith.extui %sign3A_546 : vector<16xi1> to vector<16xi32>
        %sign3A_548 = arith.subi %sign3A_543, %sign3A_547 : vector<16xi32>
        %sign3A_549 = arith.constant 0 : i32
        %sign3A_550 = arith.cmpi sgt, %jit3A_537, %sign3A_549 : i32
        %sign3A_551 = arith.extui %sign3A_550 : i1 to i32
        %sign3A_552 = arith.constant 0 : i32
        %sign3A_553 = arith.cmpi slt, %jit3A_537, %sign3A_552 : i32
        %sign3A_554 = arith.extui %sign3A_553 : i1 to i32
        %sign3A_555 = arith.subi %sign3A_551, %sign3A_554 : i32
        %ne3A_556 = vector.broadcast %sign3A_555 : i32 to vector<16xi32>
        %ne3A_557 = arith.cmpi ne, %sign3A_548, %ne3A_556 : vector<16xi32>
        %rem3A_558 = vector.broadcast %jit3A_537 : i32 to vector<16xi32>
        %rem3A_559 = arith.remsi %get3A_534, %rem3A_558 : vector<16xi32>
        %ne3A_560 = arith.constant 0 : i32
        %ne3A_561 = vector.broadcast %ne3A_560 : i32 to vector<16xi32>
        %ne3A_562 = arith.cmpi ne, %rem3A_559, %ne3A_561 : vector<16xi32>
        %and3A_563 = arith.andi %ne3A_557, %ne3A_562 : vector<16xi1>
        %sub3A_564 = arith.constant 1 : i32
        %sub3A_565 = vector.broadcast %sub3A_564 : i32 to vector<16xi32>
        %sub3A_566 = arith.subi %div3A_539, %sub3A_565 : vector<16xi32>
        %select_n3A_567 = arith.select %and3A_563, %sub3A_566, %div3A_539 : vector<16xi1>, vector<16xi32>
        %jit3A_568 = arith.constant 128 : i32
        %eq3A_569 = arith.constant 0 : i32
        %eq3A_570 = arith.cmpi eq, %jit3A_568, %eq3A_569 : i32
        %jit3A_571 = arith.constant 1 : i32
        %select_n3A_572 = arith.select %eq3A_570, %jit3A_571, %jit3A_568 : i32
        %rem3A_573 = vector.broadcast %select_n3A_572 : i32 to vector<16xi32>
        %rem3A_574 = arith.remsi %get3A_534, %rem3A_573 : vector<16xi32>
        %ne3A_575 = arith.constant 0 : i32
        %ne3A_576 = vector.broadcast %ne3A_575 : i32 to vector<16xi32>
        %ne3A_577 = arith.cmpi ne, %rem3A_574, %ne3A_576 : vector<16xi32>
        %lt3A_578 = arith.constant 0 : i32
        %lt3A_579 = vector.broadcast %lt3A_578 : i32 to vector<16xi32>
        %lt3A_580 = arith.cmpi slt, %rem3A_574, %lt3A_579 : vector<16xi32>
        %lt3A_581 = arith.constant 0 : i32
        %lt3A_582 = arith.cmpi slt, %select_n3A_572, %lt3A_581 : i32
        %ne3A_583 = vector.broadcast %lt3A_582 : i1 to vector<16xi1>
        %ne3A_584 = vector.broadcast %ne3A_583 : vector<16xi1> to vector<16xi1>
        %ne3A_585 = arith.xori %lt3A_580, %ne3A_584 : vector<16xi1>
        %and3A_586 = arith.andi %ne3A_585, %ne3A_577 : vector<16xi1>
        %add3A_587 = vector.broadcast %select_n3A_572 : i32 to vector<16xi32>
        %add3A_588 = arith.addi %rem3A_574, %add3A_587 : vector<16xi32>
        %select_n3A_589 = arith.select %and3A_586, %add3A_588, %rem3A_574 : vector<16xi1>, vector<16xi32>
        tpu.vector_store_idx %arg15[%select_n3A_567, %select_n3A_589], %broadcast_in_dim3A_3 {add = true} : memref<80x128xf32, #tpu.memory_space<vmem>>[vector<16xi32>, vector<16xi32>], vector<16xf32>,
        %add3A_590 = arith.constant 2 : i32
        %add3A_591 = arith.addi %add3A_122, %add3A_590 : i32
        %mul3A_592 = arith.constant 32 : i32
        %mul3A_593 = arith.muli %add3A_591, %mul3A_592 : i32
        %add3A_594 = arith.addi %add3A, %mul3A_593 : i32
        %lt3A_595 = arith.constant 2500 : i32
        %lt3A_596 = arith.cmpi slt, %add3A_594, %lt3A_595 : i32
        %convert_element_type3A_597 = arith.extui %lt3A_596 : i1 to i32
        %cond3A_598 = arith.constant 0 : i32
        %cond3A_599 = arith.cmpi ne, %convert_element_type3A_597, %cond3A_598 : i32
        scf.if %cond3A_599 {
          %add3A_603 = arith.constant 2 : i32
          %add3A_604 = arith.addi %add3A_122, %add3A_603 : i32
          %mul3A_605 = arith.constant 32 : i32
          %mul3A_606 = arith.muli %add3A_604, %mul3A_605 : i32
          %add3A_607 = arith.addi %add3A, %mul3A_606 : i32
          %mul3A_608 = arith.constant 128 : i32
          %mul3A_609 = arith.muli %add3A_607, %mul3A_608 : i32
          %dma_start3A_610 = tpu.memref_slice %arg3[%mul3A_609] : memref<320000xi32, #tpu.memory_space<hbm>> -> memref<128xi32, #tpu.memory_space<hbm>>
          %dma_start3A_611 = tpu.memref_slice %arg3[%mul3A_609] : memref<320000xi32, #tpu.memory_space<hbm>> -> memref<128xi32, #tpu.memory_space<hbm>>
          tpu.enqueue_dma source(%dma_start3A_611 : memref<128xi32, #tpu.memory_space<hbm>>) target(%arg10 : memref<128xi32, #tpu.memory_space<vmem>>) target_semaphore(%arg24 : memref<!tpu.dma_semaphore, #tpu.memory_space<semaphore_mem>>)
          %dma_start3A_612 = tpu.memref_slice %arg4[%mul3A_609] : memref<320000xi32, #tpu.memory_space<hbm>> -> memref<128xi32, #tpu.memory_space<hbm>>
          %dma_start3A_613 = tpu.memref_slice %arg4[%mul3A_609] : memref<320000xi32, #tpu.memory_space<hbm>> -> memref<128xi32, #tpu.memory_space<hbm>>
          tpu.enqueue_dma source(%dma_start3A_613 : memref<128xi32, #tpu.memory_space<hbm>>) target(%arg12 : memref<128xi32, #tpu.memory_space<vmem>>) target_semaphore(%arg24 : memref<!tpu.dma_semaphore, #tpu.memory_space<semaphore_mem>>)
        } else {
        }
        %dma_start3A_600 = arith.constant 0 : i32
        %dma_start3A_601 = arith.constant 0 : i32
        %dma_start3A_602 = tpu.memref_slice %arg17[%dma_start3A_600, %dma_start3A_601] : memref<10000x128xf32, #tpu.memory_space<vmem_shared>> -> memref<10000x128xf32, #tpu.memory_space<vmem_shared>>
        tpu.enqueue_indirect_dma source(%arg8 : memref<128x128xf32, #tpu.memory_space<vmem>>) target(%dma_start3A_602 : memref<10000x128xf32, #tpu.memory_space<vmem_shared>>) offsets(%arg14 : memref<128xi32, #tpu.memory_space<vmem>>) semaphore(%arg22 : memref<!tpu.dma_semaphore, #tpu.memory_space<semaphore_mem>>) {add = true}
      } else {
      }
    }
    %scan3A_76 = arith.constant 40 : i32
    %dma_wait3A_77 = arith.constant 0 : i32
    %dma_wait3A_78 = arith.constant 0 : i32
    %dma_wait3A_79 = tpu.memref_slice %arg17[%dma_wait3A_77, %dma_wait3A_78] : memref<10000x128xf32, #tpu.memory_space<vmem_shared>> -> memref<10000x128xf32, #tpu.memory_space<vmem_shared>>
    tpu.wait_indirect_dma semaphore(%arg21 : memref<!tpu.dma_semaphore, #tpu.memory_space<semaphore_mem>>) src(%arg7 : memref<128x128xf32, #tpu.memory_space<vmem>>) dst(%dma_wait3A_79 : memref<10000x128xf32, #tpu.memory_space<vmem_shared>>)
    %dma_wait3A_80 = arith.constant 0 : i32
    %dma_wait3A_81 = arith.constant 0 : i32
    %dma_wait3A_82 = tpu.memref_slice %arg17[%dma_wait3A_80, %dma_wait3A_81] : memref<10000x128xf32, #tpu.memory_space<vmem_shared>> -> memref<10000x128xf32, #tpu.memory_space<vmem_shared>>
    tpu.wait_indirect_dma semaphore(%arg22 : memref<!tpu.dma_semaphore, #tpu.memory_space<semaphore_mem>>) src(%arg8 : memref<128x128xf32, #tpu.memory_space<vmem>>) dst(%dma_wait3A_82 : memref<10000x128xf32, #tpu.memory_space<vmem_shared>>)
    "tpu.region"() ({
      %run_scoped3A = tpu.sem_alloc : memref<!tpu.dma_semaphore, #tpu.memory_space<semaphore_mem>>
      %dma_start3A_106 = arith.constant 0 : i32
      %dma_start3A_107 = arith.constant 0 : i32
      %dma_start3A_108 = tpu.memref_slice %arg18[%dma_start3A_106, %dma_start3A_107] : memref<80x128xf32, #tpu.memory_space<vmem_shared>> -> memref<80x128xf32, #tpu.memory_space<vmem_shared>>
      tpu.enqueue_indirect_dma source(%arg15 : memref<80x128xf32, #tpu.memory_space<vmem>>) target(%dma_start3A_108 : memref<80x128xf32, #tpu.memory_space<vmem_shared>>) offsets(%arg16 : memref<80xi32, #tpu.memory_space<vmem>>) semaphore(%run_scoped3A : memref<!tpu.dma_semaphore, #tpu.memory_space<semaphore_mem>>) {add = true}
      %dma_wait3A_109 = arith.constant 0 : i32
      %dma_wait3A_110 = arith.constant 0 : i32
      %dma_wait3A_111 = tpu.memref_slice %arg18[%dma_wait3A_109, %dma_wait3A_110] : memref<80x128xf32, #tpu.memory_space<vmem_shared>> -> memref<80x128xf32, #tpu.memory_space<vmem_shared>>
      tpu.wait_indirect_dma semaphore(%run_scoped3A : memref<!tpu.dma_semaphore, #tpu.memory_space<semaphore_mem>>) src(%arg15 : memref<80x128xf32, #tpu.memory_space<vmem>>) dst(%dma_wait3A_111 : memref<80x128xf32, #tpu.memory_space<vmem_shared>>)
      tpu.yield
    }) : () -> ()
    %barrier3A_83 = arith.constant 0 : index
    tpu.barrier barrier_id(%barrier3A_83)
    %lt3A_84 = arith.constant 10 : i32
    %lt3A_85 = arith.cmpi slt, %arg1, %lt3A_84 : i32
    %convert_element_type3A_86 = arith.extui %lt3A_85 : i1 to i32
    %cond3A_87 = arith.constant 0 : i32
    %cond3A_88 = arith.cmpi ne, %convert_element_type3A_86, %cond3A_87 : i32
    scf.if %cond3A_88 {
      %mul3A_106 = arith.constant 8 : i32
      %mul3A_107 = arith.muli %arg1, %mul3A_106 : i32
      "tpu.region"() ({
        %run_scoped3A = tpu.sem_alloc : memref<!tpu.dma_semaphore, #tpu.memory_space<semaphore_mem>>
        %dma_start3A_110 = arith.constant 0 : i32
        %dma_start3A_111 = arith.constant 0 : i32
        %dma_start3A_112 = tpu.memref_slice %arg15[%dma_start3A_110, %dma_start3A_111] : memref<80x128xf32, #tpu.memory_space<vmem>> -> memref<8x128xf32, #tpu.memory_space<vmem>>
        %dma_start3A_113 = arith.constant 0 : i32
        %dma_start3A_114 = tpu.memref_slice %arg18[%mul3A_107, %dma_start3A_113] : memref<80x128xf32, #tpu.memory_space<vmem_shared>> -> memref<8x128xf32, #tpu.memory_space<vmem_shared>>
        %dma_start3A_115 = arith.constant 0 : i32
        %dma_start3A_116 = arith.constant 0 : i32
        %dma_start3A_117 = tpu.memref_slice %arg15[%dma_start3A_115, %dma_start3A_116] : memref<80x128xf32, #tpu.memory_space<vmem>> -> memref<8x128xf32, #tpu.memory_space<vmem>>
        %dma_start3A_118 = arith.constant 0 : i32
        %dma_start3A_119 = tpu.memref_slice %arg18[%mul3A_107, %dma_start3A_118] : memref<80x128xf32, #tpu.memory_space<vmem_shared>> -> memref<8x128xf32, #tpu.memory_space<vmem_shared>>
        tpu.enqueue_dma source(%dma_start3A_119 : memref<8x128xf32, #tpu.memory_space<vmem_shared>>) target(%dma_start3A_117 : memref<8x128xf32, #tpu.memory_space<vmem>>) target_semaphore(%run_scoped3A : memref<!tpu.dma_semaphore, #tpu.memory_space<semaphore_mem>>)
        %dma_wait3A_120 = arith.constant 0 : i32
        %dma_wait3A_121 = arith.constant 0 : i32
        %dma_wait3A_122 = tpu.memref_slice %arg15[%dma_wait3A_120, %dma_wait3A_121] : memref<80x128xf32, #tpu.memory_space<vmem>> -> memref<8x128xf32, #tpu.memory_space<vmem>>
        %dma_wait3A_123 = arith.constant 0 : i32
        %dma_wait3A_124 = tpu.memref_slice %arg18[%mul3A_107, %dma_wait3A_123] : memref<80x128xf32, #tpu.memory_space<vmem_shared>> -> memref<8x128xf32, #tpu.memory_space<vmem_shared>>
        %dma_wait3A_125 = arith.constant 0 : i32
        %dma_wait3A_126 = arith.constant 0 : i32
        %dma_wait3A_127 = tpu.memref_slice %arg15[%dma_wait3A_125, %dma_wait3A_126] : memref<80x128xf32, #tpu.memory_space<vmem>> -> memref<8x128xf32, #tpu.memory_space<vmem>>
        %dma_wait3A_128 = arith.constant 0 : i32
        %dma_wait3A_129 = tpu.memref_slice %arg18[%mul3A_107, %dma_wait3A_128] : memref<80x128xf32, #tpu.memory_space<vmem_shared>> -> memref<8x128xf32, #tpu.memory_space<vmem_shared>>
        tpu.wait_dma2 semaphore(%run_scoped3A : memref<!tpu.dma_semaphore, #tpu.memory_space<semaphore_mem>>) src(%dma_wait3A_129 : memref<8x128xf32, #tpu.memory_space<vmem_shared>>) dst(%dma_wait3A_127 : memref<8x128xf32, #tpu.memory_space<vmem>>)
        tpu.yield
      }) : () -> ()
      %mul3A_108 = arith.constant 8 : i32
      %mul3A_109 = arith.muli %arg1, %mul3A_108 : i32
      "tpu.region"() ({
        %run_scoped3A = tpu.sem_alloc : memref<!tpu.dma_semaphore, #tpu.memory_space<semaphore_mem>>
        %dma_start3A_110 = arith.constant 0 : i32
        %dma_start3A_111 = arith.constant 0 : i32
        %dma_start3A_112 = tpu.memref_slice %arg15[%dma_start3A_110, %dma_start3A_111] : memref<80x128xf32, #tpu.memory_space<vmem>> -> memref<8x128xf32, #tpu.memory_space<vmem>>
        %dma_start3A_113 = arith.constant 0 : i32
        %dma_start3A_114 = tpu.memref_slice %arg6[%arg0, %mul3A_109, %dma_start3A_113] : memref<2x80x128xf32, #tpu.memory_space<hbm>> -> memref<1x8x128xf32, #tpu.memory_space<hbm>>
        %dma_start3A_115 = tpu.memref_squeeze %dma_start3A_114 : memref<1x8x128xf32, #tpu.memory_space<hbm>> -> memref<8x128xf32, #tpu.memory_space<hbm>>
        %dma_start3A_116 = arith.constant 0 : i32
        %dma_start3A_117 = tpu.memref_slice %arg6[%arg0, %mul3A_109, %dma_start3A_116] : memref<2x80x128xf32, #tpu.memory_space<hbm>> -> memref<1x8x128xf32, #tpu.memory_space<hbm>>
        %dma_start3A_118 = tpu.memref_squeeze %dma_start3A_117 : memref<1x8x128xf32, #tpu.memory_space<hbm>> -> memref<8x128xf32, #tpu.memory_space<hbm>>
        %dma_start3A_119 = arith.constant 0 : i32
        %dma_start3A_120 = arith.constant 0 : i32
        %dma_start3A_121 = tpu.memref_slice %arg15[%dma_start3A_119, %dma_start3A_120] : memref<80x128xf32, #tpu.memory_space<vmem>> -> memref<8x128xf32, #tpu.memory_space<vmem>>
        tpu.enqueue_dma source(%dma_start3A_121 : memref<8x128xf32, #tpu.memory_space<vmem>>) target(%dma_start3A_118 : memref<8x128xf32, #tpu.memory_space<hbm>>) target_semaphore(%run_scoped3A : memref<!tpu.dma_semaphore, #tpu.memory_space<semaphore_mem>>)
        %dma_wait3A_122 = arith.constant 0 : i32
        %dma_wait3A_123 = arith.constant 0 : i32
        %dma_wait3A_124 = tpu.memref_slice %arg15[%dma_wait3A_122, %dma_wait3A_123] : memref<80x128xf32, #tpu.memory_space<vmem>> -> memref<8x128xf32, #tpu.memory_space<vmem>>
        %dma_wait3A_125 = arith.constant 0 : i32
        %dma_wait3A_126 = tpu.memref_slice %arg6[%arg0, %mul3A_109, %dma_wait3A_125] : memref<2x80x128xf32, #tpu.memory_space<hbm>> -> memref<1x8x128xf32, #tpu.memory_space<hbm>>
        %dma_wait3A_127 = tpu.memref_squeeze %dma_wait3A_126 : memref<1x8x128xf32, #tpu.memory_space<hbm>> -> memref<8x128xf32, #tpu.memory_space<hbm>>
        %dma_wait3A_128 = arith.constant 0 : i32
        %dma_wait3A_129 = tpu.memref_slice %arg6[%arg0, %mul3A_109, %dma_wait3A_128] : memref<2x80x128xf32, #tpu.memory_space<hbm>> -> memref<1x8x128xf32, #tpu.memory_space<hbm>>
        %dma_wait3A_130 = tpu.memref_squeeze %dma_wait3A_129 : memref<1x8x128xf32, #tpu.memory_space<hbm>> -> memref<8x128xf32, #tpu.memory_space<hbm>>
        %dma_wait3A_131 = arith.constant 0 : i32
        %dma_wait3A_132 = arith.constant 0 : i32
        %dma_wait3A_133 = tpu.memref_slice %arg15[%dma_wait3A_131, %dma_wait3A_132] : memref<80x128xf32, #tpu.memory_space<vmem>> -> memref<8x128xf32, #tpu.memory_space<vmem>>
        tpu.wait_dma2 semaphore(%run_scoped3A : memref<!tpu.dma_semaphore, #tpu.memory_space<semaphore_mem>>) src(%dma_wait3A_133 : memref<8x128xf32, #tpu.memory_space<vmem>>) dst(%dma_wait3A_130 : memref<8x128xf32, #tpu.memory_space<hbm>>)
        tpu.yield
      }) : () -> ()
    } else {
    }
    %mul3A_89 = arith.constant 80 : i32
    %mul3A_90 = arith.muli %arg1, %mul3A_89 : i32
    %dma_start3A_91 = arith.constant 0 : i32
    %dma_start3A_92 = arith.constant 0 : i32
    %dma_start3A_93 = tpu.memref_slice %arg7[%dma_start3A_91, %dma_start3A_92] : memref<128x128xf32, #tpu.memory_space<vmem>> -> memref<80x128xf32, #tpu.memory_space<vmem>>
    %dma_start3A_94 = arith.constant 0 : i32
    %dma_start3A_95 = tpu.memref_slice %arg17[%mul3A_90, %dma_start3A_94] : memref<10000x128xf32, #tpu.memory_space<vmem_shared>> -> memref<80x128xf32, #tpu.memory_space<vmem_shared>>
    %dma_start3A_96 = arith.constant 0 : i32
    %dma_start3A_97 = arith.constant 0 : i32
    %dma_start3A_98 = tpu.memref_slice %arg7[%dma_start3A_96, %dma_start3A_97] : memref<128x128xf32, #tpu.memory_space<vmem>> -> memref<80x128xf32, #tpu.memory_space<vmem>>
    %dma_start3A_99 = arith.constant 0 : i32
    %dma_start3A_100 = tpu.memref_slice %arg17[%mul3A_90, %dma_start3A_99] : memref<10000x128xf32, #tpu.memory_space<vmem_shared>> -> memref<80x128xf32, #tpu.memory_space<vmem_shared>>
    tpu.enqueue_dma source(%dma_start3A_100 : memref<80x128xf32, #tpu.memory_space<vmem_shared>>) target(%dma_start3A_98 : memref<80x128xf32, #tpu.memory_space<vmem>>) target_semaphore(%arg19 : memref<!tpu.dma_semaphore, #tpu.memory_space<semaphore_mem>>)
    %scan3A_101 = arith.constant 0 : i32
    %scan3A_102 = arith.constant 4 : i32
    %scan3A_103 = arith.addi %scan3A_101, %scan3A_102 : i32
    %scan3A_104 = arith.constant 1 : i32
    scf.for %scan3A_106 = %scan3A_101 to %scan3A_103 step %scan3A_104  : i32 {
      %mul3A_107 = arith.constant 2 : i32
      %mul3A_108 = arith.muli %scan3A_106, %mul3A_107 : i32
      %add3A_109 = arith.constant 0 : i32
      %add3A_110 = arith.addi %add3A_109, %mul3A_108 : i32
      %add3A_111 = arith.constant 0 : i32
      %add3A_112 = arith.addi %add3A_110, %add3A_111 : i32
      %mul3A_113 = arith.constant 16 : i32
      %mul3A_114 = arith.muli %add3A_112, %mul3A_113 : i32
      %add3A_115 = arith.addi %mul3A_114, %arg1 : i32
      %lt3A_116 = arith.constant 125 : i32
      %lt3A_117 = arith.cmpi slt, %add3A_115, %lt3A_116 : i32
      %convert_element_type3A_118 = arith.extui %lt3A_117 : i1 to i32
      %cond3A_119 = arith.constant 0 : i32
      %cond3A_120 = arith.cmpi ne, %convert_element_type3A_118, %cond3A_119 : i32
      scf.if %cond3A_120 {
        %dma_wait3A_131 = arith.constant 0 : i32
        %dma_wait3A_132 = arith.constant 0 : i32
        %dma_wait3A_133 = tpu.memref_slice %arg7[%dma_wait3A_131, %dma_wait3A_132] : memref<128x128xf32, #tpu.memory_space<vmem>> -> memref<80x128xf32, #tpu.memory_space<vmem>>
        %dma_wait3A_134 = arith.constant 0 : i32
        %dma_wait3A_135 = arith.constant 0 : i32
        %dma_wait3A_136 = tpu.memref_slice %arg17[%dma_wait3A_134, %dma_wait3A_135] : memref<10000x128xf32, #tpu.memory_space<vmem_shared>> -> memref<80x128xf32, #tpu.memory_space<vmem_shared>>
        %dma_wait3A_137 = arith.constant 0 : i32
        %dma_wait3A_138 = arith.constant 0 : i32
        %dma_wait3A_139 = tpu.memref_slice %arg7[%dma_wait3A_137, %dma_wait3A_138] : memref<128x128xf32, #tpu.memory_space<vmem>> -> memref<80x128xf32, #tpu.memory_space<vmem>>
        %dma_wait3A_140 = arith.constant 0 : i32
        %dma_wait3A_141 = arith.constant 0 : i32
        %dma_wait3A_142 = tpu.memref_slice %arg17[%dma_wait3A_140, %dma_wait3A_141] : memref<10000x128xf32, #tpu.memory_space<vmem_shared>> -> memref<80x128xf32, #tpu.memory_space<vmem_shared>>
        tpu.wait_dma2 semaphore(%arg19 : memref<!tpu.dma_semaphore, #tpu.memory_space<semaphore_mem>>) src(%dma_wait3A_142 : memref<80x128xf32, #tpu.memory_space<vmem_shared>>) dst(%dma_wait3A_139 : memref<80x128xf32, #tpu.memory_space<vmem>>)
        %add3A_143 = arith.constant 1 : i32
        %add3A_144 = arith.addi %add3A_112, %add3A_143 : i32
        %mul3A_145 = arith.constant 16 : i32
        %mul3A_146 = arith.muli %add3A_144, %mul3A_145 : i32
        %add3A_147 = arith.addi %mul3A_146, %arg1 : i32
        %lt3A_148 = arith.constant 125 : i32
        %lt3A_149 = arith.cmpi slt, %add3A_147, %lt3A_148 : i32
        %convert_element_type3A_150 = arith.extui %lt3A_149 : i1 to i32
        %cond3A_151 = arith.constant 0 : i32
        %cond3A_152 = arith.cmpi ne, %convert_element_type3A_150, %cond3A_151 : i32
        scf.if %cond3A_152 {
          %mul3A_155 = arith.constant 80 : i32
          %mul3A_156 = arith.muli %add3A_147, %mul3A_155 : i32
          %dma_start3A_157 = arith.constant 0 : i32
          %dma_start3A_158 = arith.constant 0 : i32
          %dma_start3A_159 = tpu.memref_slice %arg8[%dma_start3A_157, %dma_start3A_158] : memref<128x128xf32, #tpu.memory_space<vmem>> -> memref<80x128xf32, #tpu.memory_space<vmem>>
          %dma_start3A_160 = arith.constant 0 : i32
          %dma_start3A_161 = tpu.memref_slice %arg17[%mul3A_156, %dma_start3A_160] : memref<10000x128xf32, #tpu.memory_space<vmem_shared>> -> memref<80x128xf32, #tpu.memory_space<vmem_shared>>
          %dma_start3A_162 = arith.constant 0 : i32
          %dma_start3A_163 = arith.constant 0 : i32
          %dma_start3A_164 = tpu.memref_slice %arg8[%dma_start3A_162, %dma_start3A_163] : memref<128x128xf32, #tpu.memory_space<vmem>> -> memref<80x128xf32, #tpu.memory_space<vmem>>
          %dma_start3A_165 = arith.constant 0 : i32
          %dma_start3A_166 = tpu.memref_slice %arg17[%mul3A_156, %dma_start3A_165] : memref<10000x128xf32, #tpu.memory_space<vmem_shared>> -> memref<80x128xf32, #tpu.memory_space<vmem_shared>>
          tpu.enqueue_dma source(%dma_start3A_166 : memref<80x128xf32, #tpu.memory_space<vmem_shared>>) target(%dma_start3A_164 : memref<80x128xf32, #tpu.memory_space<vmem>>) target_semaphore(%arg20 : memref<!tpu.dma_semaphore, #tpu.memory_space<semaphore_mem>>)
        } else {
        }
        %mul3A_153 = arith.constant 80 : i32
        %mul3A_154 = arith.muli %add3A_115, %mul3A_153 : i32
        "tpu.region"() ({
          %run_scoped3A = tpu.sem_alloc : memref<!tpu.dma_semaphore, #tpu.memory_space<semaphore_mem>>
          %dma_start3A_155 = arith.constant 0 : i32
          %dma_start3A_156 = arith.constant 0 : i32
          %dma_start3A_157 = tpu.memref_slice %arg7[%dma_start3A_155, %dma_start3A_156] : memref<128x128xf32, #tpu.memory_space<vmem>> -> memref<80x128xf32, #tpu.memory_space<vmem>>
          %dma_start3A_158 = arith.constant 0 : i32
          %dma_start3A_159 = tpu.memref_slice %arg5[%arg0, %mul3A_154, %dma_start3A_158] : memref<2x10000x128xf32, #tpu.memory_space<hbm>> -> memref<1x80x128xf32, #tpu.memory_space<hbm>>
          %dma_start3A_160 = tpu.memref_squeeze %dma_start3A_159 : memref<1x80x128xf32, #tpu.memory_space<hbm>> -> memref<80x128xf32, #tpu.memory_space<hbm>>
          %dma_start3A_161 = arith.constant 0 : i32
          %dma_start3A_162 = tpu.memref_slice %arg5[%arg0, %mul3A_154, %dma_start3A_161] : memref<2x10000x128xf32, #tpu.memory_space<hbm>> -> memref<1x80x128xf32, #tpu.memory_space<hbm>>
          %dma_start3A_163 = tpu.memref_squeeze %dma_start3A_162 : memref<1x80x128xf32, #tpu.memory_space<hbm>> -> memref<80x128xf32, #tpu.memory_space<hbm>>
          %dma_start3A_164 = arith.constant 0 : i32
          %dma_start3A_165 = arith.constant 0 : i32
          %dma_start3A_166 = tpu.memref_slice %arg7[%dma_start3A_164, %dma_start3A_165] : memref<128x128xf32, #tpu.memory_space<vmem>> -> memref<80x128xf32, #tpu.memory_space<vmem>>
          tpu.enqueue_dma source(%dma_start3A_166 : memref<80x128xf32, #tpu.memory_space<vmem>>) target(%dma_start3A_163 : memref<80x128xf32, #tpu.memory_space<hbm>>) target_semaphore(%run_scoped3A : memref<!tpu.dma_semaphore, #tpu.memory_space<semaphore_mem>>)
          %dma_wait3A_167 = arith.constant 0 : i32
          %dma_wait3A_168 = arith.constant 0 : i32
          %dma_wait3A_169 = tpu.memref_slice %arg7[%dma_wait3A_167, %dma_wait3A_168] : memref<128x128xf32, #tpu.memory_space<vmem>> -> memref<80x128xf32, #tpu.memory_space<vmem>>
          %dma_wait3A_170 = arith.constant 0 : i32
          %dma_wait3A_171 = tpu.memref_slice %arg5[%arg0, %mul3A_154, %dma_wait3A_170] : memref<2x10000x128xf32, #tpu.memory_space<hbm>> -> memref<1x80x128xf32, #tpu.memory_space<hbm>>
          %dma_wait3A_172 = tpu.memref_squeeze %dma_wait3A_171 : memref<1x80x128xf32, #tpu.memory_space<hbm>> -> memref<80x128xf32, #tpu.memory_space<hbm>>
          %dma_wait3A_173 = arith.constant 0 : i32
          %dma_wait3A_174 = tpu.memref_slice %arg5[%arg0, %mul3A_154, %dma_wait3A_173] : memref<2x10000x128xf32, #tpu.memory_space<hbm>> -> memref<1x80x128xf32, #tpu.memory_space<hbm>>
          %dma_wait3A_175 = tpu.memref_squeeze %dma_wait3A_174 : memref<1x80x128xf32, #tpu.memory_space<hbm>> -> memref<80x128xf32, #tpu.memory_space<hbm>>
          %dma_wait3A_176 = arith.constant 0 : i32
          %dma_wait3A_177 = arith.constant 0 : i32
          %dma_wait3A_178 = tpu.memref_slice %arg7[%dma_wait3A_176, %dma_wait3A_177] : memref<128x128xf32, #tpu.memory_space<vmem>> -> memref<80x128xf32, #tpu.memory_space<vmem>>
          tpu.wait_dma2 semaphore(%run_scoped3A : memref<!tpu.dma_semaphore, #tpu.memory_space<semaphore_mem>>) src(%dma_wait3A_178 : memref<80x128xf32, #tpu.memory_space<vmem>>) dst(%dma_wait3A_175 : memref<80x128xf32, #tpu.memory_space<hbm>>)
          tpu.yield
        }) : () -> ()
      } else {
      }
      %add3A_121 = arith.constant 1 : i32
      %add3A_122 = arith.addi %add3A_110, %add3A_121 : i32
      %mul3A_123 = arith.constant 16 : i32
      %mul3A_124 = arith.muli %add3A_122, %mul3A_123 : i32
      %add3A_125 = arith.addi %mul3A_124, %arg1 : i32
      %lt3A_126 = arith.constant 125 : i32
      %lt3A_127 = arith.cmpi slt, %add3A_125, %lt3A_126 : i32
      %convert_element_type3A_128 = arith.extui %lt3A_127 : i1 to i32
      %cond3A_129 = arith.constant 0 : i32
      %cond3A_130 = arith.cmpi ne, %convert_element_type3A_128, %cond3A_129 : i32
      scf.if %cond3A_130 {
        %dma_wait3A_131 = arith.constant 0 : i32
        %dma_wait3A_132 = arith.constant 0 : i32
        %dma_wait3A_133 = tpu.memref_slice %arg8[%dma_wait3A_131, %dma_wait3A_132] : memref<128x128xf32, #tpu.memory_space<vmem>> -> memref<80x128xf32, #tpu.memory_space<vmem>>
        %dma_wait3A_134 = arith.constant 0 : i32
        %dma_wait3A_135 = arith.constant 0 : i32
        %dma_wait3A_136 = tpu.memref_slice %arg17[%dma_wait3A_134, %dma_wait3A_135] : memref<10000x128xf32, #tpu.memory_space<vmem_shared>> -> memref<80x128xf32, #tpu.memory_space<vmem_shared>>
        %dma_wait3A_137 = arith.constant 0 : i32
        %dma_wait3A_138 = arith.constant 0 : i32
        %dma_wait3A_139 = tpu.memref_slice %arg8[%dma_wait3A_137, %dma_wait3A_138] : memref<128x128xf32, #tpu.memory_space<vmem>> -> memref<80x128xf32, #tpu.memory_space<vmem>>
        %dma_wait3A_140 = arith.constant 0 : i32
        %dma_wait3A_141 = arith.constant 0 : i32
        %dma_wait3A_142 = tpu.memref_slice %arg17[%dma_wait3A_140, %dma_wait3A_141] : memref<10000x128xf32, #tpu.memory_space<vmem_shared>> -> memref<80x128xf32, #tpu.memory_space<vmem_shared>>
        tpu.wait_dma2 semaphore(%arg20 : memref<!tpu.dma_semaphore, #tpu.memory_space<semaphore_mem>>) src(%dma_wait3A_142 : memref<80x128xf32, #tpu.memory_space<vmem_shared>>) dst(%dma_wait3A_139 : memref<80x128xf32, #tpu.memory_space<vmem>>)
        %add3A_143 = arith.constant 1 : i32
        %add3A_144 = arith.addi %add3A_122, %add3A_143 : i32
        %mul3A_145 = arith.constant 16 : i32
        %mul3A_146 = arith.muli %add3A_144, %mul3A_145 : i32
        %add3A_147 = arith.addi %mul3A_146, %arg1 : i32
        %lt3A_148 = arith.constant 125 : i32
        %lt3A_149 = arith.cmpi slt, %add3A_147, %lt3A_148 : i32
        %convert_element_type3A_150 = arith.extui %lt3A_149 : i1 to i32
        %cond3A_151 = arith.constant 0 : i32
        %cond3A_152 = arith.cmpi ne, %convert_element_type3A_150, %cond3A_151 : i32
        scf.if %cond3A_152 {
          %mul3A_155 = arith.constant 80 : i32
          %mul3A_156 = arith.muli %add3A_147, %mul3A_155 : i32
          %dma_start3A_157 = arith.constant 0 : i32
          %dma_start3A_158 = arith.constant 0 : i32
          %dma_start3A_159 = tpu.memref_slice %arg7[%dma_start3A_157, %dma_start3A_158] : memref<128x128xf32, #tpu.memory_space<vmem>> -> memref<80x128xf32, #tpu.memory_space<vmem>>
          %dma_start3A_160 = arith.constant 0 : i32
          %dma_start3A_161 = tpu.memref_slice %arg17[%mul3A_156, %dma_start3A_160] : memref<10000x128xf32, #tpu.memory_space<vmem_shared>> -> memref<80x128xf32, #tpu.memory_space<vmem_shared>>
          %dma_start3A_162 = arith.constant 0 : i32
          %dma_start3A_163 = arith.constant 0 : i32
          %dma_start3A_164 = tpu.memref_slice %arg7[%dma_start3A_162, %dma_start3A_163] : memref<128x128xf32, #tpu.memory_space<vmem>> -> memref<80x128xf32, #tpu.memory_space<vmem>>
          %dma_start3A_165 = arith.constant 0 : i32
          %dma_start3A_166 = tpu.memref_slice %arg17[%mul3A_156, %dma_start3A_165] : memref<10000x128xf32, #tpu.memory_space<vmem_shared>> -> memref<80x128xf32, #tpu.memory_space<vmem_shared>>
          tpu.enqueue_dma source(%dma_start3A_166 : memref<80x128xf32, #tpu.memory_space<vmem_shared>>) target(%dma_start3A_164 : memref<80x128xf32, #tpu.memory_space<vmem>>) target_semaphore(%arg19 : memref<!tpu.dma_semaphore, #tpu.memory_space<semaphore_mem>>)
        } else {
        }
        %mul3A_153 = arith.constant 80 : i32
        %mul3A_154 = arith.muli %add3A_125, %mul3A_153 : i32
        "tpu.region"() ({
          %run_scoped3A = tpu.sem_alloc : memref<!tpu.dma_semaphore, #tpu.memory_space<semaphore_mem>>
          %dma_start3A_155 = arith.constant 0 : i32
          %dma_start3A_156 = arith.constant 0 : i32
          %dma_start3A_157 = tpu.memref_slice %arg8[%dma_start3A_155, %dma_start3A_156] : memref<128x128xf32, #tpu.memory_space<vmem>> -> memref<80x128xf32, #tpu.memory_space<vmem>>
          %dma_start3A_158 = arith.constant 0 : i32
          %dma_start3A_159 = tpu.memref_slice %arg5[%arg0, %mul3A_154, %dma_start3A_158] : memref<2x10000x128xf32, #tpu.memory_space<hbm>> -> memref<1x80x128xf32, #tpu.memory_space<hbm>>
          %dma_start3A_160 = tpu.memref_squeeze %dma_start3A_159 : memref<1x80x128xf32, #tpu.memory_space<hbm>> -> memref<80x128xf32, #tpu.memory_space<hbm>>
          %dma_start3A_161 = arith.constant 0 : i32
          %dma_start3A_162 = tpu.memref_slice %arg5[%arg0, %mul3A_154, %dma_start3A_161] : memref<2x10000x128xf32, #tpu.memory_space<hbm>> -> memref<1x80x128xf32, #tpu.memory_space<hbm>>
          %dma_start3A_163 = tpu.memref_squeeze %dma_start3A_162 : memref<1x80x128xf32, #tpu.memory_space<hbm>> -> memref<80x128xf32, #tpu.memory_space<hbm>>
          %dma_start3A_164 = arith.constant 0 : i32
          %dma_start3A_165 = arith.constant 0 : i32
          %dma_start3A_166 = tpu.memref_slice %arg8[%dma_start3A_164, %dma_start3A_165] : memref<128x128xf32, #tpu.memory_space<vmem>> -> memref<80x128xf32, #tpu.memory_space<vmem>>
          tpu.enqueue_dma source(%dma_start3A_166 : memref<80x128xf32, #tpu.memory_space<vmem>>) target(%dma_start3A_163 : memref<80x128xf32, #tpu.memory_space<hbm>>) target_semaphore(%run_scoped3A : memref<!tpu.dma_semaphore, #tpu.memory_space<semaphore_mem>>)
          %dma_wait3A_167 = arith.constant 0 : i32
          %dma_wait3A_168 = arith.constant 0 : i32
          %dma_wait3A_169 = tpu.memref_slice %arg8[%dma_wait3A_167, %dma_wait3A_168] : memref<128x128xf32, #tpu.memory_space<vmem>> -> memref<80x128xf32, #tpu.memory_space<vmem>>
          %dma_wait3A_170 = arith.constant 0 : i32
          %dma_wait3A_171 = tpu.memref_slice %arg5[%arg0, %mul3A_154, %dma_wait3A_170] : memref<2x10000x128xf32, #tpu.memory_space<hbm>> -> memref<1x80x128xf32, #tpu.memory_space<hbm>>
          %dma_wait3A_172 = tpu.memref_squeeze %dma_wait3A_171 : memref<1x80x128xf32, #tpu.memory_space<hbm>> -> memref<80x128xf32, #tpu.memory_space<hbm>>
          %dma_wait3A_173 = arith.constant 0 : i32
          %dma_wait3A_174 = tpu.memref_slice %arg5[%arg0, %mul3A_154, %dma_wait3A_173] : memref<2x10000x128xf32, #tpu.memory_space<hbm>> -> memref<1x80x128xf32, #tpu.memory_space<hbm>>
          %dma_wait3A_175 = tpu.memref_squeeze %dma_wait3A_174 : memref<1x80x128xf32, #tpu.memory_space<hbm>> -> memref<80x128xf32, #tpu.memory_space<hbm>>
          %dma_wait3A_176 = arith.constant 0 : i32
          %dma_wait3A_177 = arith.constant 0 : i32
          %dma_wait3A_178 = tpu.memref_slice %arg8[%dma_wait3A_176, %dma_wait3A_177] : memref<128x128xf32, #tpu.memory_space<vmem>> -> memref<80x128xf32, #tpu.memory_space<vmem>>
          tpu.wait_dma2 semaphore(%run_scoped3A : memref<!tpu.dma_semaphore, #tpu.memory_space<semaphore_mem>>) src(%dma_wait3A_178 : memref<80x128xf32, #tpu.memory_space<vmem>>) dst(%dma_wait3A_175 : memref<80x128xf32, #tpu.memory_space<hbm>>)
          tpu.yield
        }) : () -> ()
      } else {
      }
    }
    %scan3A_105 = arith.constant 4 : i32
    return
  }
}

module attributes {stable_mosaic.version = 14 : i64} {
  func.func @_combine_body(%arg0: i32, %arg1: memref<1000x128xf32, #tpu.memory_space<vmem>>, %arg2: memref<128x128xf32, #tpu.memory_space<vmem>>, %arg3: memref<128x128xf32, #tpu.memory_space<vmem>>, %arg4: memref<1x128xf32, #tpu.memory_space<vmem>>, %arg5: memref<2x1000x128xf32, #tpu.memory_space<vmem>>, %arg6: memref<1000x1xf32, #tpu.memory_space<vmem>>, %arg7: memref<1000x128xf32, #tpu.memory_space<vmem>>) attributes {dimension_semantics = [#tpu.dimension_semantics<arbitrary>], iteration_bounds = array<i64: 10>, scalar_prefetch = 0 : i64, scratch_operands = 0 : i64, tpu.core_type = #tpu.core_type<tc>, window_params = [{transform_indices = @transform_0, window_bounds = array<i64: 1000, 128>}, {pipeline_mode = #tpu.pipeline_mode<synchronous>, transform_indices = @transform_1, window_bounds = array<i64: 128, 128>}, {pipeline_mode = #tpu.pipeline_mode<synchronous>, transform_indices = @transform_2, window_bounds = array<i64: 128, 128>}, {pipeline_mode = #tpu.pipeline_mode<synchronous>, transform_indices = @transform_3, window_bounds = array<i64: 1, 128>}, {transform_indices = @transform_4, window_bounds = array<i64: 2, 1000, 128>}, {transform_indices = @transform_5, window_bounds = array<i64: 1000, 1>}, {transform_indices = @transform_6, window_bounds = array<i64: 1000, 128>}]} {
    %get3A = arith.constant 0 : index
    %get3A_0 = arith.constant 0 : index
    %get3A_1 = vector.load %arg6[%get3A, %get3A_0] : memref<1000x1xf32, #tpu.memory_space<vmem>>, vector<1000x1xf32>
    %max3A = arith.constant 1.000000e+00 : f32
    %max3A_2 = vector.broadcast %max3A : f32 to vector<1000x1xf32>
    %max3A_3 = arith.maximumf %get3A_1, %max3A_2 : vector<1000x1xf32>
    %get3A_4 = arith.constant 0 : index
    %get3A_5 = arith.constant 0 : index
    %get3A_6 = arith.constant 0 : index
    %get3A_7 = vector.load %arg5[%get3A_4, %get3A_5, %get3A_6] : memref<2x1000x128xf32, #tpu.memory_space<vmem>>, vector<1x1000x128xf32>
    %get3A_8 = vector.shape_cast %get3A_7 : vector<1x1000x128xf32> to vector<1000x128xf32>
    %get3A_9 = arith.constant 1 : index
    %get3A_10 = arith.constant 0 : index
    %get3A_11 = arith.constant 0 : index
    %get3A_12 = vector.load %arg5[%get3A_9, %get3A_10, %get3A_11] : memref<2x1000x128xf32, #tpu.memory_space<vmem>>, vector<1x1000x128xf32>
    %get3A_13 = vector.shape_cast %get3A_12 : vector<1x1000x128xf32> to vector<1000x128xf32>
    %add3A = arith.addf %get3A_8, %get3A_13 : vector<1000x128xf32>
    %div3A = vector.broadcast %max3A_3 : vector<1000x1xf32> to vector<1000x128xf32>
    %div3A_14 = arith.divf %add3A, %div3A : vector<1000x128xf32>
    %get3A_15 = arith.constant 0 : index
    %get3A_16 = arith.constant 0 : index
    %get3A_17 = vector.load %arg1[%get3A_15, %get3A_16] : memref<1000x128xf32, #tpu.memory_space<vmem>>, vector<1000x128xf32>
    %get3A_18 = arith.constant 0 : index
    %get3A_19 = arith.constant 0 : index
    %get3A_20 = vector.load %arg2[%get3A_18, %get3A_19] : memref<128x128xf32, #tpu.memory_space<vmem>>, vector<128x128xf32>
    %dot_general3A = arith.constant dense<0.000000e+00> : vector<1000x128xf32>
    %dot_general3A_21 = tpu.matmul %get3A_17, %get3A_20, %dot_general3A {dimension_numbers = #tpu.dot_dimension_numbers<[1], [0], [0], [1], [0, 0, 1, 1], [], []>, transpose_lhs_hint = false} : vector<1000x128xf32>, vector<128x128xf32>, vector<1000x128xf32> -> vector<1000x128xf32>
    %get3A_22 = arith.constant 0 : index
    %get3A_23 = arith.constant 0 : index
    %get3A_24 = vector.load %arg3[%get3A_22, %get3A_23] : memref<128x128xf32, #tpu.memory_space<vmem>>, vector<128x128xf32>
    %dot_general3A_25 = arith.constant dense<0.000000e+00> : vector<1000x128xf32>
    %dot_general3A_26 = tpu.matmul %div3A_14, %get3A_24, %dot_general3A_25 {dimension_numbers = #tpu.dot_dimension_numbers<[1], [0], [0], [1], [0, 0, 1, 1], [], []>, transpose_lhs_hint = false} : vector<1000x128xf32>, vector<128x128xf32>, vector<1000x128xf32> -> vector<1000x128xf32>
    %add3A_27 = arith.addf %dot_general3A_21, %dot_general3A_26 : vector<1000x128xf32>
    %get3A_28 = arith.constant 0 : index
    %get3A_29 = arith.constant 0 : index
    %get3A_30 = vector.load %arg4[%get3A_28, %get3A_29] : memref<1x128xf32, #tpu.memory_space<vmem>>, vector<1x128xf32>
    %add3A_31 = vector.broadcast %get3A_30 : vector<1x128xf32> to vector<1000x128xf32>
    %add3A_32 = arith.addf %add3A_27, %add3A_31 : vector<1000x128xf32>
    %swap3A = arith.constant 0 : index
    %swap3A_33 = arith.constant 0 : index
    %swap3A_34 = vector.load %arg7[%swap3A, %swap3A_33] : memref<1000x128xf32, #tpu.memory_space<vmem>>, vector<1000x128xf32>
    tpu.vector_store %arg7[%swap3A, %swap3A_33], %add3A_32 {strides = array<i32>} : memref<1000x128xf32, #tpu.memory_space<vmem>>, vector<1000x128xf32>,
    return
  }
  func.func @transform_0(%arg0: i32) -> (i32, i32) {
    %c0_i32 = arith.constant 0 : i32
    %c0_i32_0 = arith.constant 0 : i32
    return %arg0, %c0_i32 : i32, i32
  }
  func.func @transform_1(%arg0: i32) -> (i32, i32) {
    %c0_i32 = arith.constant 0 : i32
    %c0_i32_0 = arith.constant 0 : i32
    %c0_i32_1 = arith.constant 0 : i32
    return %c0_i32, %c0_i32_0 : i32, i32
  }
  func.func @transform_2(%arg0: i32) -> (i32, i32) {
    %c0_i32 = arith.constant 0 : i32
    %c0_i32_0 = arith.constant 0 : i32
    %c0_i32_1 = arith.constant 0 : i32
    return %c0_i32, %c0_i32_0 : i32, i32
  }
  func.func @transform_3(%arg0: i32) -> (i32, i32) {
    %c0_i32 = arith.constant 0 : i32
    %c0_i32_0 = arith.constant 0 : i32
    %c0_i32_1 = arith.constant 0 : i32
    return %c0_i32, %c0_i32_0 : i32, i32
  }
  func.func @transform_4(%arg0: i32) -> (i32, i32, i32) {
    %c0_i32 = arith.constant 0 : i32
    %c0_i32_0 = arith.constant 0 : i32
    %c0_i32_1 = arith.constant 0 : i32
    return %c0_i32, %arg0, %c0_i32_0 : i32, i32, i32
  }
  func.func @transform_5(%arg0: i32) -> (i32, i32) {
    %c0_i32 = arith.constant 0 : i32
    %c0_i32_0 = arith.constant 0 : i32
    return %arg0, %c0_i32 : i32, i32
  }
  func.func @transform_6(%arg0: i32) -> (i32, i32) {
    %c0_i32 = arith.constant 0 : i32
    %c0_i32_0 = arith.constant 0 : i32
    return %arg0, %c0_i32 : i32, i32
  }
}

</mosaic_0001>

<sc_bundles>
// kernel: kernel.4.cloned.1.call-start
scs
__scs_entry_jumppad:
0x0: {  	(pc) =	sbr.rel $0x88, $3  }
0x1: {  	(tag) =	ssettag $0x0;
	lr =	simm.s32 $0x1  }
0x2: {  	[smem:$0x3F9C] =	sst lr;
	_ =	strace $0xD0000000  }
0x3: {  	_ = 	snop  }
0x4: {  	_ = 	snop  }
0x5: {  	_ = 	snop  }
0x6: {  	_ = 	snop  }
0x7: {  	_ = 	snop  }
__scs_overlays_trampoline_lowered:
0x8: {  	[smem:$0x3FAB] =	sst s0  }
0x9: {  	[smem:$0x3FAC] =	sst s1  }
0xa: {  	[smem:$0x3FAD] =	sst s2  }
0xb: {  	[smem:$0x3FAE] =	sst s3  }
0xc: {  	[smem:$0x3FAF] =	sst s4  }
0xd: {  	[smem:$0x3FB0] =	sst s5  }
0xe: {  	[smem:$0x3FB1] =	sst s6  }
0xf: {  	[smem:$0x3FB2] =	sst s7  }
0x10: {  	[smem:$0x3FB3] =	sst s8  }
0x11: {  	[smem:$0x3FB4] =	sst s9;
	s0 =	simm.s32 @!p0 $0x0  }
0x12: {  	s1 =	sld [smem:$0x3F9A];
	s0 =	simm.s32 @p0 $0x1  }
0x13: {  	[smem:$0x3FB5] =	sst s0;
	s0 =	simm.s32 @!p1 $0x0  }
0x14: {  	s2 =	sld [smem:$0x3F99];
	s0 =	simm.s32 @p1 $0x1  }
0x15: {  	[smem:$0x3FB6] =	sst s0;
	s0 =	simm.s32 @!p2 $0x0  }
0x16: {  	s3 =	sld [smem:$0x3FDB];
	s0 =	simm.s32 @p2 $0x1  }
0x17: {  	s4 =	simm.s32 $0x1BF5;
	[smem:$0x3FB8] =	sst s0  }
0x18: {  	s0 =	sld [smem:$0x3F9B];
	_ =	swait.ge [sflag:s4], $0x0  }
0x19: {  	s7 =	sld [smem:$0x3F9C]  }
0x1a: {  	s8 =	sadd.s32 $0xFFFFE003, lr  }
0x1b: {  	s9 =	sadd.s32 $0xFFFFFEF7, lr;
	s5 =	simm.s32 $0xFFFFFFFF;
	p2 =	slt.u32 s8, $0xFFFFF086  }
0x1c: {  	p1 =	slt.u32 s9, $0xF7A;
	s5 =	simm.s32 @!p2 $0x0  }
0x1d: {  	s5 =	simm.s32 @p1 $0x1;
	p0 =	seq.s32 s7, s2  }
0x1e: {  	s7 =	smul.u32 @!p0 $0xF7A, s2;
	p2 =	seq.s32 @!p0 s5, $0x0  }
0x1f: {  	s9 =	smul.u32 $0xF7A, s1;
	s8 =	simm.s32 @!p0 $0x1BF5;
	p2 =	por !p2, p0  }
0x20: {  	[sflag:s8] =	ssyncset.s32 @!p0 $0xFFFFF086;
	s6 =	sadd.s32 @!p0 s3, s7;
	s7 =	simm.s32 @!p0 $0x108  }
0x21: {  	s3 =	sadd.s32 s3, s9;
	s6 =	sadd.s32 @!p0 $0x88, s6;
	s7 =	simm.s32 @p2 $0x1082  }
0x22: {  	[simem:s7], [sflag:s8] =	dma.local @!p0 [hbm:s6], $0xF7A  }
0x23: {  	s9 =	sor.u32 $0xD0000000, s2;
	s6 =	simm.s32 $0x108;
	_ =	swait.ge @!p0 [sflag:s8], $0x0  }
0x24: {  	s3 =	sadd.s32 $0x88, s3;
	s6 =	simm.s32 @!p1 $0x1082;
	[sflag:s4] =	ssyncset.s32 $0xFFFFF086  }
0x25: {  	[simem:s6], [sflag:s4] =	dma.local [hbm:s3], $0xF7A  }
0x26: {  	[smem:$0x3F9C] =	sst s1;
	(tag) =	ssettag s2;
	_ =	strace s9  }
0x27: {  	s1 =	sld [smem:$0x3FAC]  }
0x28: {  	s2 =	sld [smem:$0x3FAD]  }
0x29: {  	s4 =	sld [smem:$0x3FAF]  }
0x2a: {  	p0 =	seq.s32 s5, $0x0;
	s5 =	sld [smem:$0x3FB0]  }
0x2b: {  	s6 =	sld [smem:$0x3FB1]  }
0x2c: {  	s7 =	sld [smem:$0x3FB2]  }
0x2d: {  	s3 =	simm.s32 $0x108;
	s8 =	sld [smem:$0x3FB3]  }
0x2e: {  	s3 =	simm.s32 @!p0 $0x1082;
	s9 =	sld [smem:$0x3FB4]  }
0x2f: {  	lr =	sadd.s32 s0, s3;
	s0 =	sld [smem:$0x3FAB]  }
0x30: {  	s3 =	sld [smem:$0x3FAE]  }
0x31: {  	[smem:$0x3FB7] =	sst s10  }
0x32: {  	s10 =	sld [smem:$0x3FB5];
	_ =	sdelay $0x3  }
0x33: {  	p0 =	seq.s32 s10, $0x1;
	s10 =	sld [smem:$0x3FB7];
	_ =	sdelay $0x3  }
0x34: {  	[smem:$0x3FB7] =	sst s10  }
0x35: {  	s10 =	sld [smem:$0x3FB6];
	_ =	sdelay $0x3  }
0x36: {  	p1 =	seq.s32 s10, $0x1;
	s10 =	sld [smem:$0x3FB7];
	_ =	sdelay $0x3  }
0x37: {  	[smem:$0x3FB7] =	sst s10  }
0x38: {  	s10 =	sld [smem:$0x3FB8]  }
0x39: {  	_ = 	snop;
	(pc) =	sbr.ind lr, $3  }
0x3a: {  	_ = 	snop  }
0x3b: {  	_ = 	snop  }
0x3c: {  	p2 =	seq.s32 s10, $0x1;
	s10 =	sld [smem:$0x3FB7]  }
0x3d: {  	_ =	shalt  }
0x3e: {  	_ =	shalt  }
0x3f: {  	_ =	shalt  }
0x40: {  	_ =	shalt  }
0x41: {  	_ =	shalt  }
0x42: {  	_ =	shalt  }
0x43: {  	_ =	shalt  }
0x44: {  	_ =	shalt  }
0x45: {  	_ =	shalt  }
0x46: {  	_ =	shalt  }
0x47: {  	_ =	shalt  }
0x48: {  	_ =	shalt  }
0x49: {  	_ =	shalt  }
0x4a: {  	_ =	shalt  }
0x4b: {  	_ =	shalt  }
0x4c: {  	_ =	shalt  }
0x4d: {  	_ =	shalt  }
0x4e: {  	_ =	shalt  }
0x4f: {  	_ =	shalt  }
0x50: {  	_ =	shalt  }
0x51: {  	_ =	shalt  }
0x52: {  	_ =	shalt  }
0x53: {  	_ =	shalt  }
0x54: {  	_ =	shalt  }
0x55: {  	_ =	shalt  }
0x56: {  	_ =	shalt  }
0x57: {  	_ =	shalt  }
0x58: {  	_ =	shalt  }
0x59: {  	_ =	shalt  }
0x5a: {  	_ =	shalt  }
0x5b: {  	_ =	shalt  }
0x5c: {  	_ =	shalt  }
0x5d: {  	_ =	shalt  }
0x5e: {  	_ =	shalt  }
0x5f: {  	_ =	shalt  }
0x60: {  	_ =	shalt  }
0x61: {  	_ =	shalt  }
0x62: {  	_ =	shalt  }
0x63: {  	_ =	shalt  }
0x64: {  	_ =	shalt  }
0x65: {  	_ =	shalt  }
0x66: {  	_ =	shalt  }
0x67: {  	_ =	shalt  }
0x68: {  	_ =	shalt  }
0x69: {  	_ =	shalt  }
0x6a: {  	_ =	shalt  }
0x6b: {  	_ =	shalt  }
0x6c: {  	_ =	shalt  }
0x6d: {  	_ =	shalt  }
0x6e: {  	_ =	shalt  }
0x6f: {  	_ =	shalt  }
0x70: {  	_ =	shalt  }
0x71: {  	_ =	shalt  }
0x72: {  	_ =	shalt  }
0x73: {  	_ =	shalt  }
0x74: {  	_ =	shalt  }
0x75: {  	_ =	shalt  }
0x76: {  	_ =	shalt  }
0x77: {  	_ =	shalt  }
0x78: {  	_ =	shalt  }
0x79: {  	_ =	shalt  }
0x7a: {  	_ =	shalt  }
0x7b: {  	_ =	shalt  }
0x7c: {  	_ =	shalt  }
0x7d: {  	_ =	shalt  }
0x7e: {  	_ =	shalt  }
0x7f: {  	_ =	shalt  }
0x80: {  	_ =	shalt  }
0x81: {  	_ =	shalt  }
0x82: {  	_ =	shalt  }
0x83: {  	_ =	shalt  }
0x84: {  	_ =	shalt  }
0x85: {  	_ =	shalt  }
0x86: {  	_ =	shalt  }
0x87: {  	_ =	shalt  }
.Lfunc_end0:
.L_simem_size_0:
called_computation_lowered:
.L_overlay_start_0:
0x88: {  	s2 =	sld [smem:$0x3FD9]  }
0x89: {  	s3 =	sld [smem:$0x3FFE];
	_ =	sdelay $0x1  }
0x8a: {  	s1 =	srdreg.scid  }
0x8b: {  	s0 =	sand.u32 $0x1, s1  }
0x8c: {  	s17 =	sshll.u32 s0, $0xA;
	s2 =	sadd.s32 s3, s2  }
0x8d: {  	s2 =	sadd.s32 s2, s17  }
0x8e: {  	[smem:$0x3FC3] =	sst s2  }
0x8f: {  	_ = 	snop  }
0x90: {  	s2 =	sld [smem:$0x3FC9]  }
0x91: {  	s18 =	sld [smem:$0x3FD0];
	(tm) =	ssettm $0x1  }
0x92: {  	s4 =	sld [smem:$0x3FFB];
	_ =	sdelay $0x3  }
0x93: {  	_ =	strace s4  }
0x94: {  	s4 =	sld [smem:$0x3FFC];
	_ =	sdelay $0x3  }
0x95: {  	_ =	strace s4  }
0x96: {  	s4 =	sld [smem:$0x3FFD];
	_ =	sdelay $0x3  }
0x97: {  	_ =	strace s4  }
0x98: {  	_ =	strace $0x8FFFFFFF  }
0x99: {  	s19 =	sld [smem:$0x3FDB];
	_ =	sdelay $0x1  }
0x9a: {  	s5 =	simm.s32 $_scs_section_size  }
0x9b: {  	s6 =	simm.s32 $_size__tile_overlayer_lowered;
	s7 =	simm.s32 $_tile_overlayer_lowered  }
0x9c: {  	s22 =	simm.s32 $0x1BFF;
	s21 =	sshll.u32 s7, $0x1;
	s4 =	sadd.s32 s5, s19  }
0x9d: {  	s8 =	simm.s32 $0x0;
	s20 =	sshll.u32 s6, $0x1;
	s6 =	sadd.s32 s21, s4  }
0x9e: {  	[timem:s8], [sflag:s22] =	dma.local [hbm:s6], s20  }
0x9f: {  	_ =	swait.ge [sflag:s22], s20  }
0xa0: {  	s5 =	ssub.s32 $0x0, s20;
	[sflag:s22] =	ssyncset.done $0x0  }
0xa1: {  	[sflag:s22] =	ssyncadd.s32 s5;
	_ =	sdelay $0x1  }
0xa2: {  	s23 =	simm.s32 $0x1B8B  }
0xa3: {  	_ =	swait.ge [sflag:s23], $0x1  }
0xa4: {  	[sflag:s23] =	ssyncset.done $0x0  }
0xa5: {  	s25 =	simm.s32 $0x1B8E;
	s24 =	sld [smem:$0x3FFE];
	[sflag:s23] =	ssyncadd.s32 $0xFFFFFFFF  }
0xa6: {  	s26 =	simm.s32 $execute0_lowered;
	[smem:$0x3FD2] =	sst s25  }
0xa7: {  	s6 =	sshll.u32 s26, $0x1;
	_ =	strace $0x80000046;
	[dreg:$0x1] =	wrdreg $0xFFFFFFFF  }
0xa8: {  	s28 =	simm.s32 $_size_execute0_lowered;
	s4 =	sadd.s32 s4, s6;
	[dreg:$0x0] =	wrdreg $0x0  }
0xa9: {  	s6 =	sshll.u32 s28, $0x1;
	[dreg:$0x2] =	wrdreg s4  }
0xaa: {  	[dreg:$0x3] =	wrdreg s6  }
0xab: {  	[dreg:$0x4] =	wrdreg $0xC0  }
0xac: {  	_ =	task [dreg:s8], $0x5FFFF  }
0xad: {  	[dreg:$0x1] =	wrdreg $0xFFFFFFFF  }
0xae: {  	[dreg:$0x0] =	wrdreg $0x60  }
0xaf: {  	[dreg:$0x2] =	wrdreg s2  }
0xb0: {  	[dreg:$0x3] =	wrdreg s24  }
0xb1: {  	[dreg:$0x4] =	wrdreg s18  }
0xb2: {  	[dreg:$0x5] =	wrdreg $0xAB800  }
0xb3: {  	[dreg:$0x6] =	wrdreg $0x1E4000  }
0xb4: {  	[dreg:$0x7] =	wrdreg $0x9  }
0xb5: {  	_ =	task.clear_ibuf [dreg:s8], $0x8FFFF;
	_ =	strace $0x90000046  }
0xb6: {  	s29 =	simm.s32 $0x9;
	_ =	strace $0x80000048  }
0xb7: {  	_ =	swait.ge [sflag:s29], $0x1  }
0xb8: {  	[sflag:s29] =	ssyncadd.s32 $0xFFFFFFFF  }
0xb9: {  	_ =	strace $0x90000048  }
0xba: {  	_ =	sfence  }
0xbb: {  	s30 =	sld [smem:$0x0];
	_ =	sdelay $0x2  }
0xbc: {  	s31 =	sshll.u32 s1, $0xD;
	s1 =	sshrl.u32 s1, $0x2  }
0xbd: {  	s3 =	sand.u32 $0x4000, s31;
	s1 =	sadd.s32 s1, s30  }
0xbe: {  	s0 =	sor.u32 s3, s0;
	s1 =	sshll.u32 s1, $0x11  }
0xbf: {  	s0 =	sor.u32 s1, s0  }
0xc0: {  	s0 =	sadd.s32 $0x8F2B, s0  }
0xc1: {  	[sflag:s0] =	ssyncadd.remote.s32 $0x1  }
0xc2: {  	_ =	sfence.sel $0xFFFF  }
0xc3: {  	[dreg:$0x0] =	wrdreg $0xFFFFFFFF;
	(pc) =	sbr.abs _section_cstart, $3  }
0xc4: {  	[dreg:$0x1] =	wrdreg $0xFFFFFFFF  }
0xc5: {  	_ =	task.clear_ibuf [dreg:s8], $0x2FFFF;
	_ =	strace $0x9FFFFFFF  }
0xc6: {  	(tm) =	ssettm $0x7FFFFFFF  }
0xc7: {  	_ =	shalt  }
tec
execute0_lowered:
.L_overlay_start_1:
0x0: {  	(tag) =	ssettag $0x1  }
0x1: {  	s0 =	rddreg [dreg:$0x0]  }
0x2: {  	s1 =	rddreg [dreg:$0x1]  }
0x3: {  	s2 =	srdreg.scid;
	s3 =	rddreg [dreg:$0x2]  }
0x4: {  	s23 =	stileid.u32;
	s24 =	rddreg [dreg:$0x4]  }
0x5: {  	s28 =	simm.s32 $0x4000;
	s5 =	sand.u32 $0x1, s2;
	s16 =	smul.u32 $0x2800, s23  }
0x6: {  	s2 =	rddreg [dreg:$0x3];
	s6 =	sshll.u32 s23, $0xA;
	s4 =	smul.u32 $0x2800, s5  }
0x7: {  	s7 =	sadd.s32 $0x1000, s1;
	s11 =	sor.u32 $0x60, s23;
	s10 =	smul.u32 $0x138800, s5  }
0x8: {  	s8 =	sadd.s32 $0xB800, s1;
	s13 =	sor.u32 $0x70, s23;
	s14 =	smul.u32 $0x2800, s11  }
0x9: {  	s15 =	sor.u32 $0x10, s23;
	s20 =	sor.u32 $0x30, s23;
	s29 =	smul.u32 $0x2800, s13  }
0xa: {  	s21 =	sor.u32 $0x50, s23;
	p2 =	sgt.u32 s23, $0x9;
	s17 =	smul.u32 $0x2800, s15  }
0xb: {  	s9 =	ssub.s32 $0x2, s5;
	s22 =	sshll.u32 s5, $0x4;
	s19 =	smul.u32 $0x2800, s20  }
0xc: {  	s25 =	smul.u32 $0x2800, s21;
	s5 =	sshll.u32 s5, $0x8;
	p0 =	sgt.u32 s13, $0x7C  }
0xd: {  	s12 =	sshrl.u32 s9, $0x1;
	p1 =	sgt.u32 @!p0 s23, $0x9;
	s4 =	sadd.s32 s6, s4  }
0xe: {  	s9 =	ssub.s32 s9, s12;
	s14 =	sadd.s32 s10, s14;
	s12 =	sadd.s32 s10, s29  }
0xf: {  	s16 =	sadd.s32 s10, s16;
	s17 =	sadd.s32 s10, s17;
	s19 =	sadd.s32 s10, s19  }
0x10: {  	s10 =	sadd.s32 s10, s25;
	s25 =	sshll.u32 s23, $0x4;
	p1 =	por p1, p0  }
0x11: {  	s4 =	sshrl.u32 s4, $0x3;
	s14 =	sshrl.u32 s14, $0x3;
	s12 =	sshrl.u32 s12, $0x3  }
0x12: {  	s29 =	sshrl.u32 s16, $0x3;
	s16 =	sshrl.u32 s19, $0x3;
	s10 =	sshrl.u32 s10, $0x3  }
0x13: {  	s1 =	sadd.s32 s4, s1;
	s4 =	sor.u32 s23, s22;
	s14 =	sadd.s32 s8, s14  }
0x14: {  	s12 =	sadd.s32 s8, s12;
	s18 =	sshll.u32 s4, $0x4;
	[dreg:$0x8] =	wrdreg s14  }
0x15: {  	[dreg:$0x9] =	wrdreg s12;
	s14 =	sshrl.u32 s17, $0x3;
	s17 =	sadd.s32 s8, s16  }
0x16: {  	s16 =	simm.s32 $0x0;
	s1 =	sadd.s32 $0xAE00, s1;
	[dreg:$0xc] =	wrdreg s17  }
0x17: {  	s30 =	ssub.s32 $0x9C4, s4;
	s22 =	sadd.s32 s7, s18;
	[smem:$0x7FF] =	sst s16  }
0x18: {  	s31 =	ssub.s32 $0x984, s4;
	s26 =	sadd.s32 s3, s18;
	[dreg:$0x6] =	wrdreg s22  }
0x19: {  	s18 =	sor.u32 $0x200, s18;
	s12 =	sadd.s32 s8, s14;
	[dreg:$0x7] =	wrdreg s26  }
0x1a: {  	s14 =	smul.u32 $0xA000, s21;
	s26 =	sadd.s32 s8, s29;
	[dreg:$0xb] =	wrdreg s12  }
0x1b: {  	s8 =	sadd.s32 s8, s10;
	s19 =	sadd.s32 s7, s18;
	s22 =	sadd.s32 s3, s18  }
0x1c: {  	s3 =	sadd.s32 s5, s3;
	s5 =	sadd.s32 s5, s7;
	s29 =	smul.u32 $0xA000, s23  }
0x1d: {  	s7 =	sor.u32 $0x8300, s6;
	s10 =	smul.u32 $0xA000, s13;
	[dreg:$0xd] =	wrdreg s8  }
0x1e: {  	s12 =	smax.u32 s9, $0x1;
	s13 =	smul.u32 $0xA000, s20;
	[dreg:$0xe] =	wrdreg s19  }
0x1f: {  	s9 =	simm.s32 $0x8280;
	[dreg:$0xf] =	wrdreg s22;
	s17 =	sadd.s32 s25, s3  }
0x20: {  	s18 =	sadd.s32 s25, s5;
	_ =	strace $0x80000047;
	[dreg:$0x10] =	wrdreg s7  }
0x21: {  	s19 =	sadd.s32 s6, s24;
	s8 =	smul.u32 $0xA000, s11;
	[dreg:$0x11] =	wrdreg s1  }
0x22: {  	s11 =	smul.u32 $0xA000, s15;
	s24 =	sadd.s32 $0xA000, s26;
	[dreg:$0x12] =	wrdreg s12  }
0x23: {  	s15 =	sshrl.u32 s14, $0x2;
	s14 =	simm.s32 $0x5;
	[dreg:$0x1a] =	wrdreg s24  }
0x24: {  	s3 =	sshrl.u32 s29, $0x2;
	s5 =	sshrl.u32 s10, $0x2;
	[dreg:$0xa] =	wrdreg s26  }
0x25: {  	s26 =	sadd.s32 $0x14000, s26;
	s12 =	simm.s32 $0x7;
	s24 =	simm.s32 $0x8200  }
0x26: {  	s22 =	sadd.s32 s3, s2;
	s1 =	sshrl.u32 s8, $0x2;
	s3 =	sshrl.u32 s11, $0x2  }
0x27: {  	s25 =	sadd.s32 s5, s2;
	[dreg:$0x1b] =	wrdreg s26;
	s1 =	sadd.s32 s1, s2  }
0x28: {  	s26 =	simm.s32 $0x2;
	s3 =	sadd.s32 s3, s2;
	[dreg:$0x13] =	wrdreg s1  }
0x29: {  	s5 =	simm.s32 $0x0;
	s20 =	sadd.s32 $0x28000, s22;
	[dreg:$0x14] =	wrdreg s3  }
0x2a: {  	s21 =	sadd.s32 $0x78000, s22;
	s6 =	sadd.s32 $0xA0000, s22;
	[dreg:$0x17] =	wrdreg s20  }
0x2b: {  	s23 =	sadd.s32 $0xC8000, s22;
	s29 =	sadd.s32 $0xF0000, s22;
	[dreg:$0x18] =	wrdreg s21  }
.Ltmp0:
0x2c: {  	s1 =	sshrl.u32 s13, $0x2;
	[dreg:$0x19] =	wrdreg s23;
	(pc) =	sbr.rel .LBB2_1-.Ltmp0, $4  }
0x2d: {  	s3 =	sadd.s32 $0x50000, s22;
	[dreg:$0x1c] =	wrdreg s29;
	s20 =	simm.s32 $0x80  }
0x2e: {  	v0 =	vimm.f32 $0.0e+00;
	v1 =	vlaneseq.u32;
	s21 =	simm.s32 $0x1;
	s23 =	simm.s32 $0x8300;
	s1 =	sadd.s32 s1, s2  }
0x2f: {  	v6 =	vimm.s32 $0x0;
	v7 =	vimm.f32 $1.000000000e+00;
	v2 =	vor.u32 $0x10, v1;
	s13 =	simm.s32 $0x4;
	[dreg:$0x15] =	wrdreg s1;
	s1 =	sadd.s32 s15, s2  }
0x30: {  	v3 =	vor.u32 $0x20, v1;
	v4 =	vor.u32 $0x30, v1;
	v5 =	vor.u32 $0x40, v1;
	s15 =	ssub.s32 $0x9A4, s4;
	[dreg:$0x16] =	wrdreg s1;
	s1 =	simm.s32 $0x8  }
.LBB2_11:
0x31: {  	s7 =	simm.s32 $0x3  }
0x32: {  	_ =	swait.ge [sflag:s7], $0x4000  }
0x33: {  	[sflag:s7] =	ssyncset.done $0x0  }
0x34: {  	[sflag:s7] =	ssyncadd.s32 $0xFFFFC000  }
0x35: {  	_ =	swait.ge [sflag:s13], $0x4000  }
0x36: {  	[sflag:s13] =	ssyncset.done $0x0  }
0x37: {  	[sflag:s13] =	ssyncadd.s32 $0xFFFFC000  }
0x38: {  	s8 =	simm.s32 $0x50;
	s10 =	simm.s32 $0xAB00;
	s29 =	rddreg [dreg:$0x4]  }
0x39: {  	[spmem:s29] =	stream.indirect.scatter.add.f32 [tilespmem:s23], [sflag:$0x7], $0x80, s10, s8, $0xb8;
	[tilespmem:$0x1E680] =	vst v63  }
0x3a: {  	_ =	swait.ge [sflag:s12], $0x2800  }
0x3b: {  	[sflag:s12] =	ssyncset.done $0x0  }
0x3c: {  	[sflag:s12] =	ssyncadd.s32 $0xFFFFD800  }
0x3d: {  	s7 =	simm.s32 @!p2 $0x8300;
	s8 =	simm.s32 @!p2 $0x7;
	[bflag:$0x0] =	sbarrier.arrive $0xFFFF  }
0x3e: {  	[tilespmem:s7], [sflag:$0x7] =	stream.linear.gather @!p2 [spmem:s19], $0x400, $0x38;
	[tilespmem:$0x1E680] =	vst v63  }
0x3f: {  	_ =	swait.ge @!p2 [sflag:s8], $0x400  }
0x40: {  	[sflag:s8] =	ssyncset.done @!p2 $0x0  }
0x41: {  	s10 =	simm.s32 @!p2 $0x0;
	s11 =	rddreg [dreg:$0x11];
	[sflag:s8] =	ssyncadd.s32 @!p2 $0xFFFFFC00  }
0x42: {  	[hbm4b:s11+s10] =	stream.linear.scatter @!p2 [tilespmem:s7], [sflag:$0x7], $0x400, $0x38;
	[tilespmem:$0x1E680] =	vst v63  }
0x43: {  	_ =	swait.ge @!p2 [sflag:s8], $0x400  }
0x44: {  	[sflag:s8] =	ssyncset.done @!p2 $0x0  }
0x45: {  	[sflag:s8] =	ssyncadd.s32 @!p2 $0xFFFFFC00  }
0x46: {  	[tilespmem:s16], [sflag:$0x1] =	stream.linear.gather [spmem:s22], $0x2800, $0x38;
	[tilespmem:$0x1E680] =	vst v63  }
0x47: {  	_ =	swait.ge [sflag:s21], $0x2800  }
0x48: {  	[sflag:s21] =	ssyncset.done $0x0  }
0x49: {  	s8 =	rddreg [dreg:$0x14];
	[sflag:s21] =	ssyncadd.s32 $0xFFFFD800  }
0x4a: {  	[tilespmem:s28], [sflag:$0x2] =	stream.linear.gather [spmem:s8], $0x2800, $0x38;
	[tilespmem:$0x1E680] =	vst v63  }
0x4b: {  	s10 =	rddreg [dreg:$0xa]  }
0x4c: {  	[hbm4b:s10+s16] =	stream.linear.scatter [tilespmem:s16], [sflag:$0x8], $0x2800, $0x38;
	[tilespmem:$0x1E680] =	vst v63  }
0x4d: {  	_ =	swait.ge [sflag:s1], $0x2800  }
0x4e: {  	[sflag:s1] =	ssyncset.done $0x0  }
0x4f: {  	[sflag:s1] =	ssyncadd.s32 $0xFFFFD800  }
0x50: {  	_ =	swait.ge [sflag:s26], $0x2800  }
0x51: {  	[sflag:s26] =	ssyncset.done $0x0  }
0x52: {  	[sflag:s26] =	ssyncadd.s32 $0xFFFFD800  }
0x53: {  	[tilespmem:s16], [sflag:$0x1] =	stream.linear.gather [spmem:s3], $0x2800, $0x38;
	[tilespmem:$0x1E680] =	vst v63  }
0x54: {  	s11 =	rddreg [dreg:$0xb]  }
0x55: {  	[hbm4b:s11+s16] =	stream.linear.scatter [tilespmem:s28], [sflag:$0x7], $0x2800, $0x38;
	[tilespmem:$0x1E680] =	vst v63  }
0x56: {  	_ =	swait.ge [sflag:s12], $0x2800  }
0x57: {  	[sflag:s12] =	ssyncset.done $0x0  }
0x58: {  	[sflag:s12] =	ssyncadd.s32 $0xFFFFD800  }
0x59: {  	_ =	swait.ge [sflag:s21], $0x2800  }
0x5a: {  	[sflag:s21] =	ssyncset.done $0x0  }
0x5b: {  	s29 =	rddreg [dreg:$0x15];
	[sflag:s21] =	ssyncadd.s32 $0xFFFFD800  }
0x5c: {  	[tilespmem:s28], [sflag:$0x2] =	stream.linear.gather [spmem:s29], $0x2800, $0x38;
	[tilespmem:$0x1E680] =	vst v63  }
0x5d: {  	s8 =	rddreg [dreg:$0x1a]  }
0x5e: {  	[hbm4b:s8+s16] =	stream.linear.scatter [tilespmem:s16], [sflag:$0x8], $0x2800, $0x38;
	[tilespmem:$0x1E680] =	vst v63  }
0x5f: {  	_ =	swait.ge [sflag:s1], $0x2800  }
0x60: {  	[sflag:s1] =	ssyncset.done $0x0  }
0x61: {  	[sflag:s1] =	ssyncadd.s32 $0xFFFFD800  }
0x62: {  	_ =	swait.ge [sflag:s26], $0x2800  }
0x63: {  	[sflag:s26] =	ssyncset.done $0x0  }
0x64: {  	[sflag:s26] =	ssyncadd.s32 $0xFFFFD800  }
0x65: {  	[tilespmem:s16], [sflag:$0x1] =	stream.linear.gather [spmem:s6], $0x2800, $0x38;
	[tilespmem:$0x1E680] =	vst v63  }
0x66: {  	s10 =	rddreg [dreg:$0xc]  }
0x67: {  	[hbm4b:s10+s16] =	stream.linear.scatter [tilespmem:s28], [sflag:$0x7], $0x2800, $0x38;
	[tilespmem:$0x1E680] =	vst v63  }
0x68: {  	_ =	swait.ge [sflag:s12], $0x2800  }
0x69: {  	[sflag:s12] =	ssyncset.done $0x0  }
0x6a: {  	[sflag:s12] =	ssyncadd.s32 $0xFFFFD800  }
0x6b: {  	_ =	swait.ge [sflag:s21], $0x2800  }
0x6c: {  	[sflag:s21] =	ssyncset.done $0x0  }
0x6d: {  	s11 =	rddreg [dreg:$0x16];
	[sflag:s21] =	ssyncadd.s32 $0xFFFFD800  }
0x6e: {  	[tilespmem:s28], [sflag:$0x2] =	stream.linear.gather [spmem:s11], $0x2800, $0x38;
	[tilespmem:$0x1E680] =	vst v63  }
0x6f: {  	s29 =	rddreg [dreg:$0x1b]  }
0x70: {  	[hbm4b:s29+s16] =	stream.linear.scatter [tilespmem:s16], [sflag:$0x8], $0x2800, $0x38;
	[tilespmem:$0x1E680] =	vst v63  }
0x71: {  	_ =	swait.ge [sflag:s1], $0x2800  }
0x72: {  	[sflag:s1] =	ssyncset.done $0x0  }
0x73: {  	[sflag:s1] =	ssyncadd.s32 $0xFFFFD800  }
0x74: {  	_ =	swait.ge [sflag:s26], $0x2800  }
0x75: {  	[sflag:s26] =	ssyncset.done $0x0  }
0x76: {  	s8 =	rddreg [dreg:$0x1c];
	[sflag:s26] =	ssyncadd.s32 $0xFFFFD800  }
0x77: {  	[tilespmem:s16], [sflag:$0x1] =	stream.linear.gather [spmem:s8], $0x2800, $0x38;
	[tilespmem:$0x1E680] =	vst v63  }
0x78: {  	s10 =	rddreg [dreg:$0xd]  }
0x79: {  	[hbm4b:s10+s16] =	stream.linear.scatter [tilespmem:s28], [sflag:$0x7], $0x2800, $0x38;
	[tilespmem:$0x1E680] =	vst v63  }
0x7a: {  	_ =	swait.ge [sflag:s12], $0x2800  }
0x7b: {  	[sflag:s12] =	ssyncset.done $0x0  }
0x7c: {  	[sflag:s12] =	ssyncadd.s32 $0xFFFFD800  }
0x7d: {  	_ =	swait.ge [sflag:s21], $0x2800  }
0x7e: {  	[sflag:s21] =	ssyncset.done $0x0  }
0x7f: {  	s7 =	simm.s32 @!p0 $0x4000;
	[sflag:s21] =	ssyncadd.s32 $0xFFFFD800  }
0x80: {  	[tilespmem:s7], [sflag:$0x2] =	stream.linear.gather @!p0 [spmem:s25], $0x2800, $0x38;
	[tilespmem:$0x1E680] =	vst v63  }
0x81: {  	s11 =	rddreg [dreg:$0x8]  }
0x82: {  	[hbm4b:s11+s16] =	stream.linear.scatter [tilespmem:s16], [sflag:$0x8], $0x2800, $0x38;
	[tilespmem:$0x1E680] =	vst v63  }
0x83: {  	_ =	swait.ge [sflag:s1], $0x2800  }
0x84: {  	[sflag:s1] =	ssyncset.done $0x0  }
0x85: {  	s8 =	simm.s32 @!p0 $0x2;
	[sflag:s1] =	ssyncadd.s32 $0xFFFFD800  }
0x86: {  	_ =	swait.ge @!p0 [sflag:s8], $0x2800  }
0x87: {  	[sflag:s8] =	ssyncset.done @!p0 $0x0  }
0x88: {  	s10 =	rddreg [dreg:$0x9];
	[sflag:s8] =	ssyncadd.s32 @!p0 $0xFFFFD800;
	s8 =	simm.s32 @!p0 $0x0  }
0x89: {  	[hbm4b:s10+s8] =	stream.linear.scatter @!p0 [tilespmem:s7], [sflag:$0x7], $0x2800, $0x38;
	[tilespmem:$0x1E680] =	vst v63  }
0x8a: {  	s7 =	simm.s32 @!p0 $0x7  }
0x8b: {  	_ =	swait.ge @!p0 [sflag:s7], $0x2800  }
0x8c: {  	s5 =	sadd.s32 $0x1, s5;
	s29 =	rddreg [dreg:$0x12]  }
0x8d: {  	p3 =	sne.s32 s5, s29  }
.Ltmp1:
0x8e: {  	_ = 	snop;
	(pc) =	sbr.rel @!p3 .LBB2_12-.Ltmp1, $3  }
0x8f: {  	_ =	sdelay $0x1  }
0x90: {  	[sflag:s7] =	ssyncset.done @!p0 $0x0  }
0x91: {  	[sflag:s7] =	ssyncadd.s32 @!p0 $0xFFFFD800  }
.LBB2_1:
0x92: {  	s7 =	simm.s32 $0x70;
	s8 =	simm.s32 $0x3C0  }
.LBB2_2:
0x93: {  	p3 =	sne.s32 s8, $0x9FC0;
	[tilespmem:s7+$0x0] =	vst v0  }
0x94: {  	[tilespmem:s7+$0xFFFFFF90] =	vst v0  }
0x95: {  	[tilespmem:s7+$0xFFFFFFA0] =	vst v0  }
.Ltmp2:
0x96: {  	[tilespmem:s7+$0xFFFFFFB0] =	vst v0;
	(pc) =	sbr.rel @p3 .LBB2_2-.Ltmp2, $4  }
0x97: {  	[tilespmem:s7+$0xFFFFFFC0] =	vst v0  }
0x98: {  	[tilespmem:s7+$0xFFFFFFD0] =	vst v0  }
0x99: {  	[tilespmem:s7+$0xFFFFFFE0] =	vst v0  }
0x9a: {  	[tilespmem:s7+$0xFFFFFFF0] =	vst v0;
	s7 =	sshra.s32 s8, $0x2;
	s8 =	sadd.s32 $0x200, s8  }
0x9b: {  	[tilespmem:s7+$0x0] =	vst v0  }
0x9c: {  	[tilespmem:s7+$0xFFFFFF90] =	vst v0  }
0x9d: {  	[tilespmem:s7+$0xFFFFFFA0] =	vst v0  }
0x9e: {  	[tilespmem:s7+$0xFFFFFFB0] =	vst v0  }
0x9f: {  	[tilespmem:s7+$0xFFFFFFC0] =	vst v0  }
0xa0: {  	[tilespmem:s7+$0xFFFFFFD0] =	vst v0  }
0xa1: {  	[tilespmem:s7+$0xFFFFFFE0] =	vst v0  }
0xa2: {  	[tilespmem:s7+$0xFFFFFFF0] =	vst v0;
	s7 =	simm.s32 $0x70;
	s8 =	simm.s32 $0x3C0  }
.LBB2_4:
0xa3: {  	p3 =	sne.s32 s8, $0x9FC0;
	[tilespmem:s7+$0x8300] =	vst v0  }
0xa4: {  	[tilespmem:s7+$0x8290] =	vst v0  }
0xa5: {  	[tilespmem:s7+$0x82A0] =	vst v0  }
.Ltmp3:
0xa6: {  	[tilespmem:s7+$0x82B0] =	vst v0;
	(pc) =	sbr.rel @p3 .LBB2_4-.Ltmp3, $4  }
0xa7: {  	[tilespmem:s7+$0x82C0] =	vst v0  }
0xa8: {  	[tilespmem:s7+$0x82D0] =	vst v0  }
0xa9: {  	[tilespmem:s7+$0x82E0] =	vst v0  }
0xaa: {  	[tilespmem:s7+$0x82F0] =	vst v0;
	s7 =	sshra.s32 s8, $0x2;
	s8 =	sadd.s32 $0x200, s8  }
0xab: {  	[tilespmem:s7+$0x8300] =	vst v0  }
0xac: {  	[tilespmem:s7+$0x8290] =	vst v0  }
0xad: {  	[tilespmem:s7+$0x82A0] =	vst v0  }
0xae: {  	[tilespmem:s7+$0x82B0] =	vst v0  }
0xaf: {  	[tilespmem:s7+$0x82C0] =	vst v0  }
0xb0: {  	[tilespmem:s7+$0x82D0] =	vst v0  }
0xb1: {  	[tilespmem:s7+$0x82E0] =	vst v0  }
0xb2: {  	[tilespmem:s7+$0x82F0] =	vst v0  }
0xb3: {  	[tilespmem:$0xAB00] =	vst v1  }
0xb4: {  	[tilespmem:$0xAB10] =	vst v2  }
0xb5: {  	[tilespmem:$0xAB20] =	vst v3  }
0xb6: {  	[tilespmem:$0xAB30] =	vst v4  }
0xb7: {  	[tilespmem:$0xAB40] =	vst v5  }
0xb8: {  	[spmem:s22] =	stream.linear.scatter [tilespmem:s16], [sflag:$0x7], $0x2800, $0x38;
	[tilespmem:$0x1E680] =	vst v63  }
0xb9: {  	_ =	swait.ge [sflag:s12], $0x2800  }
0xba: {  	[sflag:s12] =	ssyncset.done $0x0  }
0xbb: {  	s29 =	rddreg [dreg:$0x17];
	[sflag:s12] =	ssyncadd.s32 $0xFFFFD800  }
0xbc: {  	[spmem:s29] =	stream.linear.scatter [tilespmem:s16], [sflag:$0x7], $0x2800, $0x38;
	[tilespmem:$0x1E680] =	vst v63  }
0xbd: {  	_ =	swait.ge [sflag:s12], $0x2800  }
0xbe: {  	[sflag:s12] =	ssyncset.done $0x0  }
0xbf: {  	[sflag:s12] =	ssyncadd.s32 $0xFFFFD800  }
0xc0: {  	[spmem:s3] =	stream.linear.scatter [tilespmem:s16], [sflag:$0x7], $0x2800, $0x38;
	[tilespmem:$0x1E680] =	vst v63  }
0xc1: {  	_ =	swait.ge [sflag:s12], $0x2800  }
0xc2: {  	[sflag:s12] =	ssyncset.done $0x0  }
0xc3: {  	s8 =	rddreg [dreg:$0x18];
	[sflag:s12] =	ssyncadd.s32 $0xFFFFD800  }
0xc4: {  	[spmem:s8] =	stream.linear.scatter [tilespmem:s16], [sflag:$0x7], $0x2800, $0x38;
	[tilespmem:$0x1E680] =	vst v63  }
0xc5: {  	_ =	swait.ge [sflag:s12], $0x2800  }
0xc6: {  	[sflag:s12] =	ssyncset.done $0x0  }
0xc7: {  	[sflag:s12] =	ssyncadd.s32 $0xFFFFD800  }
0xc8: {  	[spmem:s6] =	stream.linear.scatter [tilespmem:s16], [sflag:$0x7], $0x2800, $0x38;
	[tilespmem:$0x1E680] =	vst v63  }
0xc9: {  	_ =	swait.ge [sflag:s12], $0x2800  }
0xca: {  	[sflag:s12] =	ssyncset.done $0x0  }
0xcb: {  	s10 =	rddreg [dreg:$0x19];
	[sflag:s12] =	ssyncadd.s32 $0xFFFFD800  }
0xcc: {  	[spmem:s10] =	stream.linear.scatter [tilespmem:s16], [sflag:$0x7], $0x2800, $0x38;
	[tilespmem:$0x1E680] =	vst v63  }
0xcd: {  	_ =	swait.ge [sflag:s12], $0x2800  }
0xce: {  	[sflag:s12] =	ssyncset.done $0x0  }
0xcf: {  	s11 =	rddreg [dreg:$0x13];
	[sflag:s12] =	ssyncadd.s32 $0xFFFFD800  }
0xd0: {  	[spmem:s11] =	stream.linear.scatter [tilespmem:s16], [sflag:$0x7], $0x2800, $0x38;
	[tilespmem:$0x1E680] =	vst v63  }
0xd1: {  	_ =	swait.ge [sflag:s12], $0x2800  }
0xd2: {  	[sflag:s12] =	ssyncset.done $0x0  }
0xd3: {  	s7 =	simm.s32 @!p0 $0x0;
	[sflag:s12] =	ssyncadd.s32 $0xFFFFD800  }
0xd4: {  	[spmem:s25] =	stream.linear.scatter @!p0 [tilespmem:s7], [sflag:$0x7], $0x2800, $0x38;
	[tilespmem:$0x1E680] =	vst v63  }
0xd5: {  	s7 =	simm.s32 @!p0 $0x7  }
0xd6: {  	_ =	swait.ge @!p0 [sflag:s7], $0x2800  }
0xd7: {  	[sflag:s7] =	ssyncset.done @!p0 $0x0  }
0xd8: {  	[sflag:s7] =	ssyncadd.s32 @!p0 $0xFFFFD800;
	s7 =	rddreg [dreg:$0x10]  }
0xd9: {  	[spmem:s19] =	stream.linear.scatter @!p1 [tilespmem:s7], [sflag:$0x7], $0x400, $0x38;
	[tilespmem:$0x1E680] =	vst v63  }
0xda: {  	s7 =	simm.s32 @!p1 $0x7  }
0xdb: {  	_ =	swait.ge @!p1 [sflag:s7], $0x400  }
0xdc: {  	[sflag:s7] =	ssyncset.done @!p1 $0x0  }
0xdd: {  	[sflag:s7] =	ssyncadd.s32 @!p1 $0xFFFFFC00  }
0xde: {  	[bflag:$0x0] =	sbarrier.arrive $0xFFFF  }
0xdf: {  	s10 =	simm.s32 $0x8000;
	s7 =	simm.s32 $0x0;
	s8 =	rddreg [dreg:$0x6]  }
0xe0: {  	[tilespmem:s10], [sflag:$0x5] =	stream.linear.gather [hbm4b:s8+s7], $0x80, $0x38;
	[tilespmem:$0x1E680] =	vst v63  }
0xe1: {  	s11 =	simm.s32 $0x8100;
	s29 =	rddreg [dreg:$0x7]  }
0xe2: {  	[tilespmem:s11], [sflag:$0x5] =	stream.linear.gather [hbm4b:s29+s7], $0x80, $0x38;
	[tilespmem:$0x1E680] =	vst v63  }
0xe3: {  	s11 =	rddreg [dreg:$0xe];
	s29 =	simm.s32 $0x8080  }
0xe4: {  	[tilespmem:s29], [sflag:$0x6] =	stream.linear.gather [hbm4b:s11+s7], $0x80, $0x38;
	[tilespmem:$0x1E680] =	vst v63  }
0xe5: {  	s11 =	rddreg [dreg:$0xf];
	s29 =	simm.s32 $0x8180  }
0xe6: {  	[tilespmem:s29], [sflag:$0x6] =	stream.linear.gather [hbm4b:s11+s7], $0x80, $0x38;
	[tilespmem:$0x1E680] =	vst v63  }
0xe7: {  	_ =	swait.ge [sflag:s14], $0x80  }
0xe8: {  	[sflag:s14] =	ssyncset.done $0x0  }
.Ltmp4:
0xe9: {  	[sflag:s14] =	ssyncadd.s32 $0xFFFFFF80;
	(pc) =	sbr.rel .LBB2_6-.Ltmp4, $4  }
0xea: {  	_ =	swait.ge [sflag:s14], $0x80  }
0xeb: {  	[sflag:s14] =	ssyncset.done $0x0  }
0xec: {  	s8 =	simm.s32 $0x0;
	[sflag:s14] =	ssyncadd.s32 $0xFFFFFF80  }
0xed: {  	[tilespmem:s7], [sflag:$0x1] =	stream.indirect.gather [hbm4b:s0+s20], $0x80, s10, s20, $0xb8;
	[tilespmem:$0x1E680] =	vst v63  }
.LBB2_10:
0xee: {  	s8 =	sadd.s32 $0x400, s8  }
0xef: {  	p3 =	sne.s32 s8, $0xA000  }
.Ltmp5:
0xf0: {  	_ = 	snop;
	(pc) =	sbr.rel @!p3 .LBB2_11-.Ltmp5, $2  }
0xf1: {  	_ =	sdelay $0x2  }
0xf2: {  	s7 =	sadd.s32 $0x40, s7  }
.LBB2_6:
0xf3: {  	p4 =	sge.u32 s7, s30  }
.Ltmp6:
0xf4: {  	_ = 	snop;
	(pc) =	sbr.rel @p4 .LBB2_8-.Ltmp6, $2  }
0xf5: {  	_ =	sdelay $0x2  }
0xf6: {  	p3 =	sge.u32 s7, s15  }
0xf7: {  	_ =	swait.ge [sflag:s21], $0x4000;
	p4 =	seq.s32 @!p3 s8, $0x0  }
0xf8: {  	[sflag:s21] =	ssyncset.done $0x0;
	p4 =	por p4, p3  }
0xf9: {  	[sflag:s21] =	ssyncadd.s32 $0xFFFFC000;
	s10 =	simm.s32 @!p4 $0x4  }
0xfa: {  	_ =	swait.ge @!p4 [sflag:s10], $0x4000  }
0xfb: {  	[sflag:s10] =	ssyncset.done @!p4 $0x0  }
0xfc: {  	[sflag:s10] =	ssyncadd.s32 @!p4 $0xFFFFC000;
	s10 =	simm.s32 @!p3 $0x6  }
0xfd: {  	_ =	swait.ge @!p3 [sflag:s10], $0x80  }
0xfe: {  	[sflag:s10] =	ssyncset.done @!p3 $0x0  }
0xff: {  	[sflag:s10] =	ssyncadd.s32 @!p3 $0xFFFFFF80  }
0x100: {  	_ =	swait.ge @!p3 [sflag:s10], $0x80  }
0x101: {  	s11 =	simm.s32 @!p3 $0x8080;
	[sflag:s10] =	ssyncset.done @!p3 $0x0  }
0x102: {  	s29 =	simm.s32 @!p3 $0x4000;
	[sflag:s10] =	ssyncadd.s32 @!p3 $0xFFFFFF80;
	s10 =	simm.s32 @!p3 $0x80  }
0x103: {  	[tilespmem:s29], [sflag:$0x2] =	stream.indirect.gather @!p3 [hbm4b:s0+s10], $0x80, s11, s10, $0xb8;
	[tilespmem:$0x1E680] =	vst v63  }
0x104: {  	v8 =	vld [tilespmem:$0x8100];
	_ =	sdelay $0x4  }
0x105: {  	v9 =	vshra.s32 v8, $0x1F  }
0x106: {  	v9 =	vshrl.u32 v9, $0x19  }
0x107: {  	v9 =	vadd.s32 v9, v8  }
0x108: {  	v9 =	vshra.s32 v9, $0x7  }
0x109: {  	v10 =	vshll.u32 v9, $0x7  }
0x10a: {  	vm0 =	vlt.s32 v8, $0x1;
	vm1 =	vne.s32 v8, v10  }
0x10b: {  	vm0 =	vmand vm0, vm1  }
0x10c: {  	v34 =	vsel vm0, $0xFFFFFFFF, v6  }
0x10d: {  	v9 =	vadd.s32 v34, v9  }
0x10e: {  	v35 =	vand.u32 $0x7F, v8;
	v9 =	vshll.u32 v9, $0x7  }
0x10f: {  	v9 =	vor.u32 v35, v9;
	_ =	sdelay $0x3  }
0x110: {  	[tilespmem:$0x8200] =	vst v8  }
0x111: {  	[tilespmem:v9+s23+$0x0] =	vst.idx.add.f32.msk $0xffff, v7  }
0x112: {  	v8 =	vld [tilespmem:$0x8110];
	_ =	sdelay $0x4  }
0x113: {  	v36 =	vshra.s32 v8, $0x1F  }
0x114: {  	v9 =	vshrl.u32 v36, $0x19  }
0x115: {  	v9 =	vadd.s32 v9, v8  }
0x116: {  	v37 =	vand.u32 $0xFFFFFF80, v9  }
0x117: {  	vm14 =	vlt.s32 v8, $0x1;
	vm15 =	vne.s32 v8, v37  }
0x118: {  	vm0 =	vmand vm14, vm15  }
0x119: {  	v9 =	vshrl.u32 v9, $0x7;
	v38 =	vsel vm0, $0xFFFFFFFF, v6  }
0x11a: {  	v9 =	vadd.s32 v38, v9  }
0x11b: {  	v39 =	vand.u32 $0x7F, v8;
	v9 =	vshll.u32 v9, $0x7  }
0x11c: {  	v9 =	vor.u32 v39, v9;
	_ =	sdelay $0x3  }
0x11d: {  	[tilespmem:$0x8210] =	vst v8  }
0x11e: {  	[tilespmem:v9+s23+$0x0] =	vst.idx.add.f32.msk $0xffff, v7  }
0x11f: {  	v8 =	vld [tilespmem:$0x8120];
	_ =	sdelay $0x4  }
0x120: {  	v40 =	vshra.s32 v8, $0x1F  }
0x121: {  	v9 =	vshrl.u32 v40, $0x19  }
0x122: {  	v9 =	vadd.s32 v9, v8  }
0x123: {  	v41 =	vand.u32 $0xFFFFFF80, v9  }
0x124: {  	vm4 =	vlt.s32 v8, $0x1;
	vm5 =	vne.s32 v8, v41  }
0x125: {  	vm0 =	vmand vm4, vm5  }
0x126: {  	v9 =	vshrl.u32 v9, $0x7;
	v42 =	vsel vm0, $0xFFFFFFFF, v6  }
0x127: {  	v9 =	vadd.s32 v42, v9  }
0x128: {  	v43 =	vand.u32 $0x7F, v8;
	v9 =	vshll.u32 v9, $0x7  }
0x129: {  	v9 =	vor.u32 v43, v9;
	_ =	sdelay $0x3  }
0x12a: {  	[tilespmem:$0x8220] =	vst v8  }
0x12b: {  	[tilespmem:v9+s23+$0x0] =	vst.idx.add.f32.msk $0xffff, v7  }
0x12c: {  	v8 =	vld [tilespmem:$0x8130];
	_ =	sdelay $0x4  }
0x12d: {  	v44 =	vshra.s32 v8, $0x1F  }
0x12e: {  	v9 =	vshrl.u32 v44, $0x19  }
0x12f: {  	v9 =	vadd.s32 v9, v8  }
0x130: {  	v45 =	vand.u32 $0xFFFFFF80, v9  }
0x131: {  	vm6 =	vlt.s32 v8, $0x1;
	vm7 =	vne.s32 v8, v45  }
0x132: {  	vm0 =	vmand vm6, vm7  }
0x133: {  	v9 =	vshrl.u32 v9, $0x7;
	v46 =	vsel vm0, $0xFFFFFFFF, v6  }
0x134: {  	v9 =	vadd.s32 v46, v9  }
0x135: {  	v47 =	vand.u32 $0x7F, v8;
	v9 =	vshll.u32 v9, $0x7  }
0x136: {  	v9 =	vor.u32 v47, v9;
	_ =	sdelay $0x3  }
0x137: {  	[tilespmem:$0x8230] =	vst v8  }
0x138: {  	[tilespmem:v9+s23+$0x0] =	vst.idx.add.f32.msk $0xffff, v7  }
0x139: {  	v8 =	vld [tilespmem:$0x8140];
	_ =	sdelay $0x4  }
0x13a: {  	v48 =	vshra.s32 v8, $0x1F  }
0x13b: {  	v9 =	vshrl.u32 v48, $0x19  }
0x13c: {  	v9 =	vadd.s32 v9, v8  }
0x13d: {  	v49 =	vand.u32 $0xFFFFFF80, v9  }
0x13e: {  	vm8 =	vlt.s32 v8, $0x1;
	vm9 =	vne.s32 v8, v49  }
0x13f: {  	vm0 =	vmand vm8, vm9  }
0x140: {  	v9 =	vshrl.u32 v9, $0x7;
	v50 =	vsel vm0, $0xFFFFFFFF, v6  }
0x141: {  	v9 =	vadd.s32 v50, v9  }
0x142: {  	v51 =	vand.u32 $0x7F, v8;
	v9 =	vshll.u32 v9, $0x7  }
0x143: {  	v9 =	vor.u32 v51, v9;
	_ =	sdelay $0x3  }
0x144: {  	[tilespmem:$0x8240] =	vst v8  }
0x145: {  	[tilespmem:v9+s23+$0x0] =	vst.idx.add.f32.msk $0xffff, v7  }
0x146: {  	v8 =	vld [tilespmem:$0x8150];
	_ =	sdelay $0x4  }
0x147: {  	v52 =	vshra.s32 v8, $0x1F  }
0x148: {  	v9 =	vshrl.u32 v52, $0x19  }
0x149: {  	v9 =	vadd.s32 v9, v8  }
0x14a: {  	v53 =	vand.u32 $0xFFFFFF80, v9  }
0x14b: {  	vm10 =	vlt.s32 v8, $0x1;
	vm11 =	vne.s32 v8, v53  }
0x14c: {  	vm0 =	vmand vm10, vm11  }
0x14d: {  	v9 =	vshrl.u32 v9, $0x7;
	v54 =	vsel vm0, $0xFFFFFFFF, v6  }
0x14e: {  	v9 =	vadd.s32 v54, v9  }
0x14f: {  	v55 =	vand.u32 $0x7F, v8;
	v9 =	vshll.u32 v9, $0x7  }
0x150: {  	v9 =	vor.u32 v55, v9;
	_ =	sdelay $0x3  }
0x151: {  	[tilespmem:$0x8250] =	vst v8  }
0x152: {  	[tilespmem:v9+s23+$0x0] =	vst.idx.add.f32.msk $0xffff, v7  }
0x153: {  	v8 =	vld [tilespmem:$0x8160];
	_ =	sdelay $0x4  }
0x154: {  	v56 =	vshra.s32 v8, $0x1F  }
0x155: {  	v9 =	vshrl.u32 v56, $0x19  }
0x156: {  	v9 =	vadd.s32 v9, v8  }
0x157: {  	v57 =	vand.u32 $0xFFFFFF80, v9  }
0x158: {  	vm12 =	vlt.s32 v8, $0x1;
	vm13 =	vne.s32 v8, v57  }
0x159: {  	vm0 =	vmand vm12, vm13  }
0x15a: {  	v9 =	vshrl.u32 v9, $0x7;
	v58 =	vsel vm0, $0xFFFFFFFF, v6  }
0x15b: {  	v9 =	vadd.s32 v58, v9  }
0x15c: {  	v59 =	vand.u32 $0x7F, v8;
	v9 =	vshll.u32 v9, $0x7  }
0x15d: {  	v9 =	vor.u32 v59, v9;
	_ =	sdelay $0x3  }
0x15e: {  	[tilespmem:$0x8260] =	vst v8  }
0x15f: {  	[tilespmem:v9+s23+$0x0] =	vst.idx.add.f32.msk $0xffff, v7  }
0x160: {  	v8 =	vld [tilespmem:$0x8170];
	_ =	sdelay $0x4  }
0x161: {  	v60 =	vshra.s32 v8, $0x1F  }
0x162: {  	v9 =	vshrl.u32 v60, $0x19  }
0x163: {  	v9 =	vadd.s32 v9, v8  }
0x164: {  	v61 =	vand.u32 $0xFFFFFF80, v9  }
0x165: {  	vm14 =	vlt.s32 v8, $0x1;
	vm15 =	vne.s32 v8, v61  }
0x166: {  	vm0 =	vmand vm14, vm15  }
0x167: {  	v9 =	vshrl.u32 v9, $0x7;
	v62 =	vsel vm0, $0xFFFFFFFF, v6  }
0x168: {  	v9 =	vadd.s32 v62, v9  }
0x169: {  	v63 =	vand.u32 $0x7F, v8;
	v9 =	vshll.u32 v9, $0x7  }
0x16a: {  	v9 =	vor.u32 v63, v9  }
0x16b: {  	s29 =	sadd.s32 s7, s4  }
0x16c: {  	s10 =	sadd.s32 $0x40, s29  }
0x16d: {  	p4 =	sgt.u32 s10, $0x9C3  }
0x16e: {  	s10 =	sadd.s32 @!p4 s8, s18;
	[tilespmem:$0x8270] =	vst v8  }
0x16f: {  	s11 =	simm.s32 @!p4 $0x0;
	s29 =	simm.s32 @!p4 $0x8000;
	s10 =	sadd.s32 @!p4 $0x400, s10;
	[tilespmem:v9+s23+$0x0] =	vst.idx.add.f32.msk $0xffff, v7  }
0x170: {  	[tilespmem:s29], [sflag:$0x5] =	stream.linear.gather @!p4 [hbm4b:s10+s11], $0x80, $0x38;
	[tilespmem:$0x1E680] =	vst v63  }
0x171: {  	s10 =	sadd.s32 @!p4 s8, s17  }
0x172: {  	s29 =	simm.s32 @!p4 $0x8100;
	s10 =	sadd.s32 @!p4 $0x400, s10  }
0x173: {  	[tilespmem:s29], [sflag:$0x5] =	stream.linear.gather @!p4 [hbm4b:s10+s11], $0x80, $0x38;
	[tilespmem:$0x1E680] =	vst v63  }
0x174: {  	_ = 	snop  }
0x175: {  	[spmem:s2] =	stream.indirect.scatter.add.f32 [tilespmem:s16], [sflag:$0x3], $0x80, s24, s20, $0xb8;
	[tilespmem:$0x1E680] =	vst v63  }
.LBB2_8:
.Ltmp7:
0x176: {  	(pc) =	sbr.rel @p3 .LBB2_10-.Ltmp7, $1  }
0x177: {  	_ =	sdelay $0x3  }
0x178: {  	_ =	swait.ge [sflag:s26], $0x4000  }
0x179: {  	p3 =	sge.u32 s7, s31;
	[sflag:s26] =	ssyncset.done $0x0  }
0x17a: {  	s10 =	simm.s32 @!p3 $0x3;
	[sflag:s26] =	ssyncadd.s32 $0xFFFFC000  }
0x17b: {  	_ =	swait.ge @!p3 [sflag:s10], $0x4000  }
0x17c: {  	[sflag:s10] =	ssyncset.done @!p3 $0x0  }
0x17d: {  	[sflag:s10] =	ssyncadd.s32 @!p3 $0xFFFFC000;
	s10 =	simm.s32 @!p3 $0x5  }
0x17e: {  	_ =	swait.ge @!p3 [sflag:s10], $0x80  }
0x17f: {  	[sflag:s10] =	ssyncset.done @!p3 $0x0  }
0x180: {  	[sflag:s10] =	ssyncadd.s32 @!p3 $0xFFFFFF80  }
0x181: {  	_ =	swait.ge @!p3 [sflag:s10], $0x80  }
0x182: {  	s11 =	simm.s32 @!p3 $0x8000;
	[sflag:s10] =	ssyncset.done @!p3 $0x0  }
0x183: {  	s29 =	simm.s32 @!p3 $0x0;
	[sflag:s10] =	ssyncadd.s32 @!p3 $0xFFFFFF80;
	s10 =	simm.s32 @!p3 $0x80  }
0x184: {  	[tilespmem:s29], [sflag:$0x1] =	stream.indirect.gather @!p3 [hbm4b:s0+s10], $0x80, s11, s10, $0xb8;
	[tilespmem:$0x1E680] =	vst v63  }
0x185: {  	v8 =	vld [tilespmem:$0x8180];
	_ =	sdelay $0x4  }
0x186: {  	v9 =	vshra.s32 v8, $0x1F  }
0x187: {  	v9 =	vshrl.u32 v9, $0x19  }
0x188: {  	v9 =	vadd.s32 v9, v8  }
0x189: {  	v9 =	vshra.s32 v9, $0x7  }
0x18a: {  	v10 =	vshll.u32 v9, $0x7  }
0x18b: {  	vm0 =	vlt.s32 v8, $0x1;
	vm1 =	vne.s32 v8, v10  }
0x18c: {  	vm0 =	vmand vm0, vm1  }
0x18d: {  	v34 =	vsel vm0, $0xFFFFFFFF, v6  }
0x18e: {  	v9 =	vadd.s32 v34, v9  }
0x18f: {  	v35 =	vand.u32 $0x7F, v8;
	v9 =	vshll.u32 v9, $0x7  }
0x190: {  	v9 =	vor.u32 v35, v9;
	_ =	sdelay $0x3  }
0x191: {  	[tilespmem:$0x8280] =	vst v8  }
0x192: {  	[tilespmem:v9+s23+$0x0] =	vst.idx.add.f32.msk $0xffff, v7  }
0x193: {  	v8 =	vld [tilespmem:$0x8190];
	_ =	sdelay $0x4  }
0x194: {  	v36 =	vshra.s32 v8, $0x1F  }
0x195: {  	v9 =	vshrl.u32 v36, $0x19  }
0x196: {  	v9 =	vadd.s32 v9, v8  }
0x197: {  	v37 =	vand.u32 $0xFFFFFF80, v9  }
0x198: {  	vm14 =	vlt.s32 v8, $0x1;
	vm15 =	vne.s32 v8, v37  }
0x199: {  	vm0 =	vmand vm14, vm15  }
0x19a: {  	v9 =	vshrl.u32 v9, $0x7;
	v38 =	vsel vm0, $0xFFFFFFFF, v6  }
0x19b: {  	v9 =	vadd.s32 v38, v9  }
0x19c: {  	v39 =	vand.u32 $0x7F, v8;
	v9 =	vshll.u32 v9, $0x7  }
0x19d: {  	v9 =	vor.u32 v39, v9;
	_ =	sdelay $0x3  }
0x19e: {  	[tilespmem:$0x8290] =	vst v8  }
0x19f: {  	[tilespmem:v9+s23+$0x0] =	vst.idx.add.f32.msk $0xffff, v7  }
0x1a0: {  	v8 =	vld [tilespmem:$0x81A0];
	_ =	sdelay $0x4  }
0x1a1: {  	v40 =	vshra.s32 v8, $0x1F  }
0x1a2: {  	v9 =	vshrl.u32 v40, $0x19  }
0x1a3: {  	v9 =	vadd.s32 v9, v8  }
0x1a4: {  	v41 =	vand.u32 $0xFFFFFF80, v9  }
0x1a5: {  	vm4 =	vlt.s32 v8, $0x1;
	vm5 =	vne.s32 v8, v41  }
0x1a6: {  	vm0 =	vmand vm4, vm5  }
0x1a7: {  	v9 =	vshrl.u32 v9, $0x7;
	v42 =	vsel vm0, $0xFFFFFFFF, v6  }
0x1a8: {  	v9 =	vadd.s32 v42, v9  }
0x1a9: {  	v43 =	vand.u32 $0x7F, v8;
	v9 =	vshll.u32 v9, $0x7  }
0x1aa: {  	v9 =	vor.u32 v43, v9;
	_ =	sdelay $0x3  }
0x1ab: {  	[tilespmem:$0x82A0] =	vst v8  }
0x1ac: {  	[tilespmem:v9+s23+$0x0] =	vst.idx.add.f32.msk $0xffff, v7  }
0x1ad: {  	v8 =	vld [tilespmem:$0x81B0];
	_ =	sdelay $0x4  }
0x1ae: {  	v44 =	vshra.s32 v8, $0x1F  }
0x1af: {  	v9 =	vshrl.u32 v44, $0x19  }
0x1b0: {  	v9 =	vadd.s32 v9, v8  }
0x1b1: {  	v45 =	vand.u32 $0xFFFFFF80, v9  }
0x1b2: {  	vm6 =	vlt.s32 v8, $0x1;
	vm7 =	vne.s32 v8, v45  }
0x1b3: {  	vm0 =	vmand vm6, vm7  }
0x1b4: {  	v9 =	vshrl.u32 v9, $0x7;
	v46 =	vsel vm0, $0xFFFFFFFF, v6  }
0x1b5: {  	v9 =	vadd.s32 v46, v9  }
0x1b6: {  	v47 =	vand.u32 $0x7F, v8;
	v9 =	vshll.u32 v9, $0x7  }
0x1b7: {  	v9 =	vor.u32 v47, v9;
	_ =	sdelay $0x3  }
0x1b8: {  	[tilespmem:$0x82B0] =	vst v8  }
0x1b9: {  	[tilespmem:v9+s23+$0x0] =	vst.idx.add.f32.msk $0xffff, v7  }
0x1ba: {  	v8 =	vld [tilespmem:$0x81C0];
	_ =	sdelay $0x4  }
0x1bb: {  	v48 =	vshra.s32 v8, $0x1F  }
0x1bc: {  	v9 =	vshrl.u32 v48, $0x19  }
0x1bd: {  	v9 =	vadd.s32 v9, v8  }
0x1be: {  	v49 =	vand.u32 $0xFFFFFF80, v9  }
0x1bf: {  	vm8 =	vlt.s32 v8, $0x1;
	vm9 =	vne.s32 v8, v49  }
0x1c0: {  	vm0 =	vmand vm8, vm9  }
0x1c1: {  	v9 =	vshrl.u32 v9, $0x7;
	v50 =	vsel vm0, $0xFFFFFFFF, v6  }
0x1c2: {  	v9 =	vadd.s32 v50, v9  }
0x1c3: {  	v51 =	vand.u32 $0x7F, v8;
	v9 =	vshll.u32 v9, $0x7  }
0x1c4: {  	v9 =	vor.u32 v51, v9;
	_ =	sdelay $0x3  }
0x1c5: {  	[tilespmem:$0x82C0] =	vst v8  }
0x1c6: {  	[tilespmem:v9+s23+$0x0] =	vst.idx.add.f32.msk $0xffff, v7  }
0x1c7: {  	v8 =	vld [tilespmem:$0x81D0];
	_ =	sdelay $0x4  }
0x1c8: {  	v52 =	vshra.s32 v8, $0x1F  }
0x1c9: {  	v9 =	vshrl.u32 v52, $0x19  }
0x1ca: {  	v9 =	vadd.s32 v9, v8  }
0x1cb: {  	v53 =	vand.u32 $0xFFFFFF80, v9  }
0x1cc: {  	vm10 =	vlt.s32 v8, $0x1;
	vm11 =	vne.s32 v8, v53  }
0x1cd: {  	vm0 =	vmand vm10, vm11  }
0x1ce: {  	v9 =	vshrl.u32 v9, $0x7;
	v54 =	vsel vm0, $0xFFFFFFFF, v6  }
0x1cf: {  	v9 =	vadd.s32 v54, v9  }
0x1d0: {  	v55 =	vand.u32 $0x7F, v8;
	v9 =	vshll.u32 v9, $0x7  }
0x1d1: {  	v9 =	vor.u32 v55, v9;
	_ =	sdelay $0x3  }
0x1d2: {  	[tilespmem:$0x82D0] =	vst v8  }
0x1d3: {  	[tilespmem:v9+s23+$0x0] =	vst.idx.add.f32.msk $0xffff, v7  }
0x1d4: {  	v8 =	vld [tilespmem:$0x81E0];
	_ =	sdelay $0x4  }
0x1d5: {  	v56 =	vshra.s32 v8, $0x1F  }
0x1d6: {  	v9 =	vshrl.u32 v56, $0x19  }
0x1d7: {  	v9 =	vadd.s32 v9, v8  }
0x1d8: {  	v57 =	vand.u32 $0xFFFFFF80, v9  }
0x1d9: {  	vm12 =	vlt.s32 v8, $0x1;
	vm13 =	vne.s32 v8, v57  }
0x1da: {  	vm0 =	vmand vm12, vm13  }
0x1db: {  	v9 =	vshrl.u32 v9, $0x7;
	v58 =	vsel vm0, $0xFFFFFFFF, v6  }
0x1dc: {  	v9 =	vadd.s32 v58, v9  }
0x1dd: {  	v59 =	vand.u32 $0x7F, v8;
	v9 =	vshll.u32 v9, $0x7  }
0x1de: {  	v9 =	vor.u32 v59, v9;
	_ =	sdelay $0x3  }
0x1df: {  	[tilespmem:$0x82E0] =	vst v8  }
0x1e0: {  	[tilespmem:v9+s23+$0x0] =	vst.idx.add.f32.msk $0xffff, v7  }
0x1e1: {  	v8 =	vld [tilespmem:$0x81F0];
	_ =	sdelay $0x4  }
0x1e2: {  	v60 =	vshra.s32 v8, $0x1F  }
0x1e3: {  	v9 =	vshrl.u32 v60, $0x19  }
0x1e4: {  	v9 =	vadd.s32 v9, v8  }
0x1e5: {  	v61 =	vand.u32 $0xFFFFFF80, v9  }
0x1e6: {  	vm14 =	vlt.s32 v8, $0x1;
	vm15 =	vne.s32 v8, v61  }
0x1e7: {  	vm0 =	vmand vm14, vm15  }
0x1e8: {  	v9 =	vshrl.u32 v9, $0x7;
	v62 =	vsel vm0, $0xFFFFFFFF, v6  }
0x1e9: {  	v9 =	vadd.s32 v62, v9  }
0x1ea: {  	v63 =	vand.u32 $0x7F, v8;
	v9 =	vshll.u32 v9, $0x7  }
0x1eb: {  	v9 =	vor.u32 v63, v9  }
0x1ec: {  	s29 =	sadd.s32 s7, s4  }
0x1ed: {  	s10 =	sadd.s32 $0x60, s29  }
0x1ee: {  	p3 =	sgt.u32 s10, $0x9C3  }
0x1ef: {  	s10 =	sadd.s32 @!p3 s8, s18;
	[tilespmem:$0x82F0] =	vst v8  }
0x1f0: {  	s11 =	simm.s32 @!p3 $0x0;
	s29 =	simm.s32 @!p3 $0x8080;
	s10 =	sadd.s32 @!p3 $0x600, s10;
	[tilespmem:v9+s23+$0x0] =	vst.idx.add.f32.msk $0xffff, v7  }
0x1f1: {  	[tilespmem:s29], [sflag:$0x6] =	stream.linear.gather @!p3 [hbm4b:s10+s11], $0x80, $0x38;
	[tilespmem:$0x1E680] =	vst v63  }
.Ltmp8:
0x1f2: {  	s10 =	sadd.s32 @!p3 s8, s17;
	(pc) =	sbr.rel .LBB2_10-.Ltmp8, $4  }
0x1f3: {  	s29 =	simm.s32 @!p3 $0x8180;
	s10 =	sadd.s32 @!p3 $0x600, s10  }
0x1f4: {  	[tilespmem:s29], [sflag:$0x6] =	stream.linear.gather @!p3 [hbm4b:s10+s11], $0x80, $0x38;
	[tilespmem:$0x1E680] =	vst v63  }
0x1f5: {  	_ = 	snop  }
0x1f6: {  	[spmem:s2] =	stream.indirect.scatter.add.f32 [tilespmem:s28], [sflag:$0x4], $0x80, s9, s20, $0xb8;
	[tilespmem:$0x1E680] =	vst v63  }
.LBB2_12:
0x1f7: {  	_ =	sfence.sel $0x180000  }
0x1f8: {  	[bflag:$0x0] =	sbarrier.arrive $0xFFFF  }
0x1f9: {  	_ =	strace $0x90000047  }
0x1fa: {  	s0 =	stileid.u32;
	[bflag:$0x2] =	sbarrier.arrive $0xFFFF  }
0x1fb: {  	p0 =	sne.s32 s0, $0x0;
	s0 =	rddreg [dreg:$0x5]  }
0x1fc: {  	s0 =	sadd.s32 @!p0 $0x100000, s0  }
0x1fd: {  	[sflag:s0] =	ssyncadd.tile.s32 @!p0 $0x1;
	_ =	shalt  }
.Lfunc_end2:
_tile_overlayer_lowered:
.L_overlay_start_2:
0x1fe: {  	(tag) =	ssettag $0x2  }
0x1ff: {  	s0 =	rddreg [dreg:$0x0];
	s2 =	stileid.u32  }
0x200: {  	s1 =	rddreg [dreg:$0x1];
	p0 =	sne.s32 s2, $0x0  }
0x201: {  	s3 =	rddreg [dreg:$0x2];
	[bflag:$0x3] =	sbarrier.arrive $0xFFFF;
	s2 =	simm.s32 @!p0 $0x1C07  }
0x202: {  	[timem:s3], [sflag:s2] =	dma.local @!p0 [hbm:s0], s1  }
0x203: {  	s0 =	simm.s32 @!p0 $0x7  }
0x204: {  	_ =	swait.ge @!p0 [sflag:s0], s1  }
0x205: {  	s1 =	ssub.s32 @!p0 $0x0, s1;
	[sflag:s0] =	ssyncset.done @!p0 $0x0  }
0x206: {  	[sflag:s0] =	ssyncadd.s32 @!p0 s1  }
0x207: {  	[bflag:$0x3] =	sbarrier.arrive $0xFFFF  }
0x208: {  	_ =	shalt  }

</sc_bundles>
